<compile_context>
chip_gen: v7x
topology: tpu7x:2x2x1
jax: 0.10.2.dev20260603
libtpu: 0.0.44.dev20260713+nightly
codegen_flags: <defaults>
</compile_context>

<pallas_src>
import functools

import jax
import jax.numpy as jnp
from jax import lax
from jax.experimental import pallas as pl
from jax.experimental.pallas import tpu as pltpu
from jax.experimental.pallas import tpu_sc as plsc

EMB = 128
NC, NS = 2, 16
NW = NC * NS
CHUNK = 128


NBUF = 5


def _sc_gather(table, idx_mat, s2, s3, total):
    cw = idx_mat.shape[2] // CHUNK
    p = cw // NBUF
    assert cw % NBUF == 0
    cu, cb = s2 // CHUNK, s3 // CHUNK
    mesh = plsc.VectorSubcoreMesh(core_axis_name="c", subcore_axis_name="s")
    L = 16

    @functools.partial(
        pl.kernel,
        out_type=[jax.ShapeDtypeStruct((s2, EMB), jnp.float32),
                  jax.ShapeDtypeStruct((s3 - s2, EMB), jnp.float32),
                  jax.ShapeDtypeStruct((total - s3, EMB), jnp.float32)],
        mesh=mesh,
        scratch_types=(
            [pltpu.VMEM((cw * CHUNK,), jnp.int32)]
            + [pltpu.VMEM((CHUNK, EMB), jnp.float32) for _ in range(NBUF)]
            + [pltpu.SemaphoreType.DMA for _ in range(2 * NBUF)]
        ),
    )
    def gather_k(table_hbm, idx_hbm, g1, g2, g3, idx_v, *rest):
        rows = rest[:NBUF]
        gsem = rest[NBUF:2 * NBUF]
        wsem = rest[2 * NBUF:]
        wid = lax.axis_index("s") * NC + lax.axis_index("c")
        cbase = wid * cw

        def fire_gather(c, b):
            pltpu.async_copy(table_hbm.at[idx_v.at[pl.ds(c * CHUNK, CHUNK)]],
                             rows[b], gsem[b])

        def fire_writeback(c, b):
            g = cbase + c

            @pl.when(g < cu)
            def _():
                pltpu.async_copy(rows[b], g1.at[pl.ds(g * CHUNK, CHUNK)],
                                 wsem[b])

            @pl.when(jnp.logical_and(g >= cu, g < cb))
            def _():
                pltpu.async_copy(rows[b],
                                 g2.at[pl.ds((g - cu) * CHUNK, CHUNK)],
                                 wsem[b])

            @pl.when(g >= cb)
            def _():
                pltpu.async_copy(rows[b],
                                 g3.at[pl.ds((g - cb) * CHUNK, CHUNK)],
                                 wsem[b])

        def wait_gather(b):
            pltpu.make_async_copy(table_hbm.at[idx_v.at[pl.ds(0, CHUNK)]],
                                  rows[b], gsem[b]).wait()

        def wait_writeback(b):
            pltpu.make_async_copy(rows[b], g1.at[pl.ds(0, CHUNK)],
                                  wsem[b]).wait()

        pltpu.sync_copy(idx_hbm.at[wid, 0], idx_v)
        for b in range(NBUF):
            fire_gather(b, b)

        def body(i, carry):
            for b in range(NBUF):
                wait_gather(b)
                fire_writeback(i * NBUF + b, b)

            @pl.when(i < p - 1)
            def _():
                for b in range(NBUF):
                    wait_writeback(b)
                    fire_gather((i + 1) * NBUF + b, b)
            return carry

        lax.fori_loop(0, p, body, 0)
        for b in range(NBUF):
            wait_writeback(b)

    return gather_k(table, idx_mat)


def _mish(x):
    u = jnp.exp(jnp.minimum(x, 30.0))
    v = u * (u + 2.0)
    return x * (v / (v + 2.0))


def _mlp_block(nt, arity, tb, gathered, wi_t, bi, wo_t, bo):
    d = arity * EMB

    def body(x_ref, wi_ref, bi_ref, wo_ref, bo_ref, out_ref):
        x = x_ref[...].reshape(tb, d)
        h = _mish(jnp.dot(x, wi_ref[...], preferred_element_type=jnp.float32)
                  + bi_ref[...])
        o = (x + jnp.dot(h, wo_ref[...], preferred_element_type=jnp.float32)
             + bo_ref[...])
        out_ref[...] = o.reshape(tb * arity, EMB)

    grid = nt // tb
    in_specs = [
        pl.BlockSpec((tb * arity, EMB), lambda i: (i, 0)),
        pl.BlockSpec((d, d), lambda i: (0, 0)),
        pl.BlockSpec((1, d), lambda i: (0, 0)),
        pl.BlockSpec((d, d), lambda i: (0, 0)),
        pl.BlockSpec((1, d), lambda i: (0, 0)),
    ]
    return pl.pallas_call(
        body,
        grid=(grid,),
        in_specs=in_specs,
        out_specs=pl.BlockSpec((tb * arity, EMB), lambda i: (i, 0)),
        out_shape=jax.ShapeDtypeStruct((nt * arity, EMB), jnp.float32),
        compiler_params=pltpu.CompilerParams(
            dimension_semantics=("parallel",)),
    )(gathered, wi_t, bi, wo_t, bo)


def kernel(node_embeddings, rel_unary_idx, rel_binary_idx, rel_ternary_idx,
           W1_inner, b1_inner, W1_outer, b1_outer,
           W2_inner, b2_inner, W2_outer, b2_outer,
           W3_inner, b3_inner, W3_outer, b3_outer):
    n1 = rel_unary_idx.shape[0]
    n2 = rel_binary_idx.shape[0] // 2
    n3 = rel_ternary_idx.shape[0] // 3
    tb = 1000

    s2 = ((n1 + CHUNK - 1) // CHUNK) * CHUNK
    s3 = ((s2 + 2 * n2 + CHUNK - 1) // CHUNK) * CHUNK
    m = NW * CHUNK * NBUF
    total = ((s3 + 3 * n3 + m - 1) // m) * m
    dt = rel_unary_idx.dtype
    idx_flat = jnp.concatenate([
        rel_unary_idx, jnp.zeros((s2 - n1,), dt),
        rel_binary_idx, jnp.zeros((s3 - s2 - 2 * n2,), dt),
        rel_ternary_idx, jnp.zeros((total - s3 - 3 * n3,), dt)])
    g1, g2, g3 = _sc_gather(node_embeddings,
                            idx_flat.reshape(NW, 1, -1), s2, s3, total)

    o1 = _mlp_block(n1, 1, tb, g1,
                    W1_inner.T, b1_inner.reshape(1, -1),
                    W1_outer.T, b1_outer.reshape(1, -1))
    o2 = _mlp_block(n2, 2, tb, g2,
                    W2_inner.T, b2_inner.reshape(1, -1),
                    W2_outer.T, b2_outer.reshape(1, -1))
    o3 = _mlp_block(n3, 3, tb, g3,
                    W3_inner.T, b3_inner.reshape(1, -1),
                    W3_outer.T, b3_outer.reshape(1, -1))

    output_messages = jnp.concatenate([o1, o2, o3], axis=0)
    output_indices = jnp.concatenate(
        [rel_unary_idx, rel_binary_idx, rel_ternary_idx], axis=0)
    return (output_messages, output_indices)

# --- scband reference (transcript-rebuilt; emitter-appended) ---
"""Pipeline reference for scband-relation-message-passing-base-45973329937216 (READ-ONLY COPY).

The authoritative reference and input builder live on the scoring server;
editing this copy changes nothing except your own understanding.
"""

import jax, jax.numpy as jnp
import numpy as np

EMB = 128
N_NODES = 100000
ARITIES = (1, 2, 3)

def _mish(x):
    return x * jnp.tanh(jax.nn.softplus(x))

def _mlp(x, Wi, bi, Wo, bo):
    return _mish(x @ Wi.T + bi) @ Wo.T + bo

def setup_inputs(seed: int = 0) -> dict:
    key = jax.random.key(seed)
    ks = jax.random.split(key, 32)
    inp = {}
    inp['node_embeddings'] = jax.random.normal(ks[0], (N_NODES, EMB), dtype=jnp.float32)
    inp['rel_unary_idx'] = jax.random.randint(ks[1], (100000 * 1,), 0, N_NODES, dtype=jnp.int64 if jax.config.jax_enable_x64 else jnp.int32)
    inp['rel_binary_idx'] = jax.random.randint(ks[2], (150000 * 2,), 0, N_NODES, dtype=jnp.int64 if jax.config.jax_enable_x64 else jnp.int32)
    inp['rel_ternary_idx'] = jax.random.randint(ks[3], (50000 * 3,), 0, N_NODES, dtype=jnp.int64 if jax.config.jax_enable_x64 else jnp.int32)
    k = 4
    for a in ARITIES:
        d = a * EMB
        inp[f'W{a}_inner'] = jax.random.normal(ks[k], (d, d), dtype=jnp.float32) * (1.0 / np.sqrt(d)); k += 1
        inp[f'b{a}_inner'] = jnp.zeros((d,), dtype=jnp.float32)
        inp[f'W{a}_outer'] = jax.random.normal(ks[k], (d, d), dtype=jnp.float32) * (1.0 / np.sqrt(d)); k += 1
        inp[f'b{a}_outer'] = jnp.zeros((d,), dtype=jnp.float32)
    return inp

def reference(node_embeddings, rel_unary_idx, rel_binary_idx, rel_ternary_idx,
              W1_inner, b1_inner, W1_outer, b1_outer,
              W2_inner, b2_inner, W2_outer, b2_outer,
              W3_inner, b3_inner, W3_outer, b3_outer):
    rels = [(rel_unary_idx, 1, W1_inner, b1_inner, W1_outer, b1_outer),
            (rel_binary_idx, 2, W2_inner, b2_inner, W2_outer, b2_outer),
            (rel_ternary_idx, 3, W3_inner, b3_inner, W3_outer, b3_outer)]
    msgs = []
    idxs = []
    for idx, arity, Wi, bi, Wo, bo in rels:
        gathered = jnp.take(node_embeddings, idx, axis=0).reshape(-1, arity * EMB)
        out = (gathered + _mlp(gathered, Wi, bi, Wo, bo)).reshape(-1, EMB)
        msgs.append(out)
        idxs.append(idx)
    output_messages = jnp.concatenate(msgs, axis=0)
    output_indices = jnp.concatenate(idxs, axis=0)
    return (output_messages, output_indices)

if __name__ == "__main__":
    import jax
    _d = setup_inputs()
    print(jax.jit(kernel)(*tuple(_d.values())))

</pallas_src>

<mosaic_0001>
#map = affine_map<(d0, d1) -> (0, 0)>
#map1 = affine_map<(d0, d1) -> (0, 0, 0)>
module attributes {stable_mosaic.version = 14 : i64} {
  func.func @gather_k(%arg0: i32, %arg1: i32, %arg2: memref<100000x128xf32, #tpu.memory_space<hbm>>, %arg3: memref<32x1x17280xi32, #tpu.memory_space<hbm>>, %arg4: memref<100096x128xf32, #tpu.memory_space<hbm>>, %arg5: memref<300032x128xf32, #tpu.memory_space<hbm>>, %arg6: memref<152832x128xf32, #tpu.memory_space<hbm>>, %arg7: memref<17280xi32, #tpu.memory_space<vmem>>, %arg8: memref<128x128xf32, #tpu.memory_space<vmem>>, %arg9: memref<128x128xf32, #tpu.memory_space<vmem>>, %arg10: memref<128x128xf32, #tpu.memory_space<vmem>>, %arg11: memref<128x128xf32, #tpu.memory_space<vmem>>, %arg12: memref<128x128xf32, #tpu.memory_space<vmem>>, %arg13: memref<!tpu.dma_semaphore, #tpu.memory_space<semaphore_mem>>, %arg14: memref<!tpu.dma_semaphore, #tpu.memory_space<semaphore_mem>>, %arg15: memref<!tpu.dma_semaphore, #tpu.memory_space<semaphore_mem>>, %arg16: memref<!tpu.dma_semaphore, #tpu.memory_space<semaphore_mem>>, %arg17: memref<!tpu.dma_semaphore, #tpu.memory_space<semaphore_mem>>, %arg18: memref<!tpu.dma_semaphore, #tpu.memory_space<semaphore_mem>>, %arg19: memref<!tpu.dma_semaphore, #tpu.memory_space<semaphore_mem>>, %arg20: memref<!tpu.dma_semaphore, #tpu.memory_space<semaphore_mem>>, %arg21: memref<!tpu.dma_semaphore, #tpu.memory_space<semaphore_mem>>, %arg22: memref<!tpu.dma_semaphore, #tpu.memory_space<semaphore_mem>>) attributes {dimension_semantics = [#tpu.dimension_semantics<core_parallel>, #tpu.dimension_semantics<subcore_parallel>], iteration_bounds = array<i64: 2, 16>, scalar_prefetch = 0 : i64, scratch_operands = 16 : i64, tpu.core_type = #tpu.core_type<sc_vector_subcore>, window_params = [{transform_indices = #map}, {transform_indices = #map1}, {transform_indices = #map}, {transform_indices = #map}, {transform_indices = #map}]} {
    %mul3A = arith.constant 2 : i32
    %mul3A_0 = arith.muli %arg1, %mul3A : i32
    %add3A = arith.addi %mul3A_0, %arg0 : i32
    %mul3A_1 = arith.constant 135 : i32
    %mul3A_2 = arith.muli %add3A, %mul3A_1 : i32
    %run_scoped3A = arith.constant 0 : i32
    "tpu.region"() ({
      %run_scoped3A_61 = tpu.sem_alloc : memref<!tpu.dma_semaphore, #tpu.memory_space<semaphore_mem>>
      %dma_start3A_62 = arith.constant 0 : i32
      %dma_start3A_63 = tpu.memref_slice %arg3[%add3A, %run_scoped3A, %dma_start3A_62] : memref<32x1x17280xi32, #tpu.memory_space<hbm>> -> memref<1x1x17280xi32, #tpu.memory_space<hbm>>
      %dma_start3A_64 = tpu.memref_squeeze %dma_start3A_63 : memref<1x1x17280xi32, #tpu.memory_space<hbm>> -> memref<17280xi32, #tpu.memory_space<hbm>>
      %dma_start3A_65 = arith.constant 0 : i32
      %dma_start3A_66 = tpu.memref_slice %arg3[%add3A, %run_scoped3A, %dma_start3A_65] : memref<32x1x17280xi32, #tpu.memory_space<hbm>> -> memref<1x1x17280xi32, #tpu.memory_space<hbm>>
      %dma_start3A_67 = tpu.memref_squeeze %dma_start3A_66 : memref<1x1x17280xi32, #tpu.memory_space<hbm>> -> memref<17280xi32, #tpu.memory_space<hbm>>
      tpu.enqueue_dma source(%dma_start3A_67 : memref<17280xi32, #tpu.memory_space<hbm>>) target(%arg7 : memref<17280xi32, #tpu.memory_space<vmem>>) target_semaphore(%run_scoped3A_61 : memref<!tpu.dma_semaphore, #tpu.memory_space<semaphore_mem>>)
      %dma_wait3A_68 = arith.constant 0 : i32
      %dma_wait3A_69 = tpu.memref_slice %arg3[%add3A, %run_scoped3A, %dma_wait3A_68] : memref<32x1x17280xi32, #tpu.memory_space<hbm>> -> memref<1x1x17280xi32, #tpu.memory_space<hbm>>
      %dma_wait3A_70 = tpu.memref_squeeze %dma_wait3A_69 : memref<1x1x17280xi32, #tpu.memory_space<hbm>> -> memref<17280xi32, #tpu.memory_space<hbm>>
      %dma_wait3A_71 = arith.constant 0 : i32
      %dma_wait3A_72 = tpu.memref_slice %arg3[%add3A, %run_scoped3A, %dma_wait3A_71] : memref<32x1x17280xi32, #tpu.memory_space<hbm>> -> memref<1x1x17280xi32, #tpu.memory_space<hbm>>
      %dma_wait3A_73 = tpu.memref_squeeze %dma_wait3A_72 : memref<1x1x17280xi32, #tpu.memory_space<hbm>> -> memref<17280xi32, #tpu.memory_space<hbm>>
      tpu.wait_dma2 semaphore(%run_scoped3A_61 : memref<!tpu.dma_semaphore, #tpu.memory_space<semaphore_mem>>) src(%dma_wait3A_73 : memref<17280xi32, #tpu.memory_space<hbm>>) dst(%arg7 : memref<17280xi32, #tpu.memory_space<vmem>>)
      tpu.yield
    }) : () -> ()
    %dma_start3A = arith.constant 0 : i32
    %dma_start3A_3 = tpu.memref_slice %arg7[%dma_start3A] : memref<17280xi32, #tpu.memory_space<vmem>> -> memref<128xi32, #tpu.memory_space<vmem>>
    %dma_start3A_4 = arith.constant 0 : i32
    %dma_start3A_5 = arith.constant 0 : i32
    %dma_start3A_6 = tpu.memref_slice %arg2[%dma_start3A_4, %dma_start3A_5] : memref<100000x128xf32, #tpu.memory_space<hbm>> -> memref<100000x128xf32, #tpu.memory_space<hbm>>
    tpu.enqueue_indirect_dma source(%dma_start3A_6 : memref<100000x128xf32, #tpu.memory_space<hbm>>) target(%arg8 : memref<128x128xf32, #tpu.memory_space<vmem>>) offsets(%dma_start3A_3 : memref<128xi32, #tpu.memory_space<vmem>>) semaphore(%arg13 : memref<!tpu.dma_semaphore, #tpu.memory_space<semaphore_mem>>)
    %dma_start3A_7 = arith.constant 128 : i32
    %dma_start3A_8 = tpu.memref_slice %arg7[%dma_start3A_7] : memref<17280xi32, #tpu.memory_space<vmem>> -> memref<128xi32, #tpu.memory_space<vmem>>
    %dma_start3A_9 = arith.constant 0 : i32
    %dma_start3A_10 = arith.constant 0 : i32
    %dma_start3A_11 = tpu.memref_slice %arg2[%dma_start3A_9, %dma_start3A_10] : memref<100000x128xf32, #tpu.memory_space<hbm>> -> memref<100000x128xf32, #tpu.memory_space<hbm>>
    tpu.enqueue_indirect_dma source(%dma_start3A_11 : memref<100000x128xf32, #tpu.memory_space<hbm>>) target(%arg9 : memref<128x128xf32, #tpu.memory_space<vmem>>) offsets(%dma_start3A_8 : memref<128xi32, #tpu.memory_space<vmem>>) semaphore(%arg14 : memref<!tpu.dma_semaphore, #tpu.memory_space<semaphore_mem>>)
    %dma_start3A_12 = arith.constant 256 : i32
    %dma_start3A_13 = tpu.memref_slice %arg7[%dma_start3A_12] : memref<17280xi32, #tpu.memory_space<vmem>> -> memref<128xi32, #tpu.memory_space<vmem>>
    %dma_start3A_14 = arith.constant 0 : i32
    %dma_start3A_15 = arith.constant 0 : i32
    %dma_start3A_16 = tpu.memref_slice %arg2[%dma_start3A_14, %dma_start3A_15] : memref<100000x128xf32, #tpu.memory_space<hbm>> -> memref<100000x128xf32, #tpu.memory_space<hbm>>
    tpu.enqueue_indirect_dma source(%dma_start3A_16 : memref<100000x128xf32, #tpu.memory_space<hbm>>) target(%arg10 : memref<128x128xf32, #tpu.memory_space<vmem>>) offsets(%dma_start3A_13 : memref<128xi32, #tpu.memory_space<vmem>>) semaphore(%arg15 : memref<!tpu.dma_semaphore, #tpu.memory_space<semaphore_mem>>)
    %dma_start3A_17 = arith.constant 384 : i32
    %dma_start3A_18 = tpu.memref_slice %arg7[%dma_start3A_17] : memref<17280xi32, #tpu.memory_space<vmem>> -> memref<128xi32, #tpu.memory_space<vmem>>
    %dma_start3A_19 = arith.constant 0 : i32
    %dma_start3A_20 = arith.constant 0 : i32
    %dma_start3A_21 = tpu.memref_slice %arg2[%dma_start3A_19, %dma_start3A_20] : memref<100000x128xf32, #tpu.memory_space<hbm>> -> memref<100000x128xf32, #tpu.memory_space<hbm>>
    tpu.enqueue_indirect_dma source(%dma_start3A_21 : memref<100000x128xf32, #tpu.memory_space<hbm>>) target(%arg11 : memref<128x128xf32, #tpu.memory_space<vmem>>) offsets(%dma_start3A_18 : memref<128xi32, #tpu.memory_space<vmem>>) semaphore(%arg16 : memref<!tpu.dma_semaphore, #tpu.memory_space<semaphore_mem>>)
    %dma_start3A_22 = arith.constant 512 : i32
    %dma_start3A_23 = tpu.memref_slice %arg7[%dma_start3A_22] : memref<17280xi32, #tpu.memory_space<vmem>> -> memref<128xi32, #tpu.memory_space<vmem>>
    %dma_start3A_24 = arith.constant 0 : i32
    %dma_start3A_25 = arith.constant 0 : i32
    %dma_start3A_26 = tpu.memref_slice %arg2[%dma_start3A_24, %dma_start3A_25] : memref<100000x128xf32, #tpu.memory_space<hbm>> -> memref<100000x128xf32, #tpu.memory_space<hbm>>
    tpu.enqueue_indirect_dma source(%dma_start3A_26 : memref<100000x128xf32, #tpu.memory_space<hbm>>) target(%arg12 : memref<128x128xf32, #tpu.memory_space<vmem>>) offsets(%dma_start3A_23 : memref<128xi32, #tpu.memory_space<vmem>>) semaphore(%arg17 : memref<!tpu.dma_semaphore, #tpu.memory_space<semaphore_mem>>)
    %scan3A = arith.constant 0 : i32
    %scan3A_27 = arith.constant 0 : i32
    %scan3A_28 = arith.constant 27 : i32
    %scan3A_29 = arith.addi %scan3A_27, %scan3A_28 : i32
    %scan3A_30 = arith.constant 1 : i32
    scf.for %scan3A_61 = %scan3A_27 to %scan3A_29 step %scan3A_30  : i32 {
      %dma_wait3A_62 = arith.constant 0 : i32
      %dma_wait3A_63 = tpu.memref_slice %arg7[%dma_wait3A_62] : memref<17280xi32, #tpu.memory_space<vmem>> -> memref<128xi32, #tpu.memory_space<vmem>>
      %dma_wait3A_64 = arith.constant 0 : i32
      %dma_wait3A_65 = arith.constant 0 : i32
      %dma_wait3A_66 = tpu.memref_slice %arg2[%dma_wait3A_64, %dma_wait3A_65] : memref<100000x128xf32, #tpu.memory_space<hbm>> -> memref<100000x128xf32, #tpu.memory_space<hbm>>
      tpu.wait_indirect_dma semaphore(%arg13 : memref<!tpu.dma_semaphore, #tpu.memory_space<semaphore_mem>>) src(%dma_wait3A_66 : memref<100000x128xf32, #tpu.memory_space<hbm>>) dst(%arg8 : memref<128x128xf32, #tpu.memory_space<vmem>>)
      %mul3A_67 = arith.constant 5 : i32
      %mul3A_68 = arith.muli %scan3A_61, %mul3A_67 : i32
      %add3A_69 = arith.constant 0 : i32
      %add3A_70 = arith.addi %mul3A_68, %add3A_69 : i32
      %add3A_71 = arith.addi %mul3A_2, %add3A_70 : i32
      %lt3A = arith.constant 782 : i32
      %lt3A_72 = arith.cmpi slt, %add3A_71, %lt3A : i32
      %convert_element_type3A = arith.extui %lt3A_72 : i1 to i32
      %cond3A = arith.constant 0 : i32
      %cond3A_73 = arith.cmpi ne, %convert_element_type3A, %cond3A : i32
      scf.if %cond3A_73 {
        %mul3A_202 = arith.constant 128 : i32
        %mul3A_203 = arith.muli %add3A_71, %mul3A_202 : i32
        %dma_start3A_204 = arith.constant 0 : i32
        %dma_start3A_205 = tpu.memref_slice %arg4[%mul3A_203, %dma_start3A_204] : memref<100096x128xf32, #tpu.memory_space<hbm>> -> memref<128x128xf32, #tpu.memory_space<hbm>>
        %dma_start3A_206 = arith.constant 0 : i32
        %dma_start3A_207 = tpu.memref_slice %arg4[%mul3A_203, %dma_start3A_206] : memref<100096x128xf32, #tpu.memory_space<hbm>> -> memref<128x128xf32, #tpu.memory_space<hbm>>
        tpu.enqueue_dma source(%arg8 : memref<128x128xf32, #tpu.memory_space<vmem>>) target(%dma_start3A_207 : memref<128x128xf32, #tpu.memory_space<hbm>>) target_semaphore(%arg18 : memref<!tpu.dma_semaphore, #tpu.memory_space<semaphore_mem>>)
      } else {
      }
      %ge3A = arith.constant 782 : i32
      %ge3A_74 = arith.cmpi sge, %add3A_71, %ge3A : i32
      %lt3A_75 = arith.constant 3126 : i32
      %lt3A_76 = arith.cmpi slt, %add3A_71, %lt3A_75 : i32
      %and3A = arith.andi %ge3A_74, %lt3A_76 : i1
      %convert_element_type3A_77 = arith.extui %and3A : i1 to i32
      %cond3A_78 = arith.constant 0 : i32
      %cond3A_79 = arith.cmpi ne, %convert_element_type3A_77, %cond3A_78 : i32
      scf.if %cond3A_79 {
        %sub3A = arith.constant 782 : i32
        %sub3A_202 = arith.subi %add3A_71, %sub3A : i32
        %mul3A_203 = arith.constant 128 : i32
        %mul3A_204 = arith.muli %sub3A_202, %mul3A_203 : i32
        %dma_start3A_205 = arith.constant 0 : i32
        %dma_start3A_206 = tpu.memref_slice %arg5[%mul3A_204, %dma_start3A_205] : memref<300032x128xf32, #tpu.memory_space<hbm>> -> memref<128x128xf32, #tpu.memory_space<hbm>>
        %dma_start3A_207 = arith.constant 0 : i32
        %dma_start3A_208 = tpu.memref_slice %arg5[%mul3A_204, %dma_start3A_207] : memref<300032x128xf32, #tpu.memory_space<hbm>> -> memref<128x128xf32, #tpu.memory_space<hbm>>
        tpu.enqueue_dma source(%arg8 : memref<128x128xf32, #tpu.memory_space<vmem>>) target(%dma_start3A_208 : memref<128x128xf32, #tpu.memory_space<hbm>>) target_semaphore(%arg18 : memref<!tpu.dma_semaphore, #tpu.memory_space<semaphore_mem>>)
      } else {
      }
      %ge3A_80 = arith.constant 3126 : i32
      %ge3A_81 = arith.cmpi sge, %add3A_71, %ge3A_80 : i32
      %convert_element_type3A_82 = arith.extui %ge3A_81 : i1 to i32
      %cond3A_83 = arith.constant 0 : i32
      %cond3A_84 = arith.cmpi ne, %convert_element_type3A_82, %cond3A_83 : i32
      scf.if %cond3A_84 {
        %sub3A = arith.constant 3126 : i32
        %sub3A_202 = arith.subi %add3A_71, %sub3A : i32
        %mul3A_203 = arith.constant 128 : i32
        %mul3A_204 = arith.muli %sub3A_202, %mul3A_203 : i32
        %dma_start3A_205 = arith.constant 0 : i32
        %dma_start3A_206 = tpu.memref_slice %arg6[%mul3A_204, %dma_start3A_205] : memref<152832x128xf32, #tpu.memory_space<hbm>> -> memref<128x128xf32, #tpu.memory_space<hbm>>
        %dma_start3A_207 = arith.constant 0 : i32
        %dma_start3A_208 = tpu.memref_slice %arg6[%mul3A_204, %dma_start3A_207] : memref<152832x128xf32, #tpu.memory_space<hbm>> -> memref<128x128xf32, #tpu.memory_space<hbm>>
        tpu.enqueue_dma source(%arg8 : memref<128x128xf32, #tpu.memory_space<vmem>>) target(%dma_start3A_208 : memref<128x128xf32, #tpu.memory_space<hbm>>) target_semaphore(%arg18 : memref<!tpu.dma_semaphore, #tpu.memory_space<semaphore_mem>>)
      } else {
      }
      %dma_wait3A_85 = arith.constant 0 : i32
      %dma_wait3A_86 = tpu.memref_slice %arg7[%dma_wait3A_85] : memref<17280xi32, #tpu.memory_space<vmem>> -> memref<128xi32, #tpu.memory_space<vmem>>
      %dma_wait3A_87 = arith.constant 0 : i32
      %dma_wait3A_88 = arith.constant 0 : i32
      %dma_wait3A_89 = tpu.memref_slice %arg2[%dma_wait3A_87, %dma_wait3A_88] : memref<100000x128xf32, #tpu.memory_space<hbm>> -> memref<100000x128xf32, #tpu.memory_space<hbm>>
      tpu.wait_indirect_dma semaphore(%arg14 : memref<!tpu.dma_semaphore, #tpu.memory_space<semaphore_mem>>) src(%dma_wait3A_89 : memref<100000x128xf32, #tpu.memory_space<hbm>>) dst(%arg9 : memref<128x128xf32, #tpu.memory_space<vmem>>)
      %mul3A_90 = arith.constant 5 : i32
      %mul3A_91 = arith.muli %scan3A_61, %mul3A_90 : i32
      %add3A_92 = arith.constant 1 : i32
      %add3A_93 = arith.addi %mul3A_91, %add3A_92 : i32
      %add3A_94 = arith.addi %mul3A_2, %add3A_93 : i32
      %lt3A_95 = arith.constant 782 : i32
      %lt3A_96 = arith.cmpi slt, %add3A_94, %lt3A_95 : i32
      %convert_element_type3A_97 = arith.extui %lt3A_96 : i1 to i32
      %cond3A_98 = arith.constant 0 : i32
      %cond3A_99 = arith.cmpi ne, %convert_element_type3A_97, %cond3A_98 : i32
      scf.if %cond3A_99 {
        %mul3A_202 = arith.constant 128 : i32
        %mul3A_203 = arith.muli %add3A_94, %mul3A_202 : i32
        %dma_start3A_204 = arith.constant 0 : i32
        %dma_start3A_205 = tpu.memref_slice %arg4[%mul3A_203, %dma_start3A_204] : memref<100096x128xf32, #tpu.memory_space<hbm>> -> memref<128x128xf32, #tpu.memory_space<hbm>>
        %dma_start3A_206 = arith.constant 0 : i32
        %dma_start3A_207 = tpu.memref_slice %arg4[%mul3A_203, %dma_start3A_206] : memref<100096x128xf32, #tpu.memory_space<hbm>> -> memref<128x128xf32, #tpu.memory_space<hbm>>
        tpu.enqueue_dma source(%arg9 : memref<128x128xf32, #tpu.memory_space<vmem>>) target(%dma_start3A_207 : memref<128x128xf32, #tpu.memory_space<hbm>>) target_semaphore(%arg19 : memref<!tpu.dma_semaphore, #tpu.memory_space<semaphore_mem>>)
      } else {
      }
      %ge3A_100 = arith.constant 782 : i32
      %ge3A_101 = arith.cmpi sge, %add3A_94, %ge3A_100 : i32
      %lt3A_102 = arith.constant 3126 : i32
      %lt3A_103 = arith.cmpi slt, %add3A_94, %lt3A_102 : i32
      %and3A_104 = arith.andi %ge3A_101, %lt3A_103 : i1
      %convert_element_type3A_105 = arith.extui %and3A_104 : i1 to i32
      %cond3A_106 = arith.constant 0 : i32
      %cond3A_107 = arith.cmpi ne, %convert_element_type3A_105, %cond3A_106 : i32
      scf.if %cond3A_107 {
        %sub3A = arith.constant 782 : i32
        %sub3A_202 = arith.subi %add3A_94, %sub3A : i32
        %mul3A_203 = arith.constant 128 : i32
        %mul3A_204 = arith.muli %sub3A_202, %mul3A_203 : i32
        %dma_start3A_205 = arith.constant 0 : i32
        %dma_start3A_206 = tpu.memref_slice %arg5[%mul3A_204, %dma_start3A_205] : memref<300032x128xf32, #tpu.memory_space<hbm>> -> memref<128x128xf32, #tpu.memory_space<hbm>>
        %dma_start3A_207 = arith.constant 0 : i32
        %dma_start3A_208 = tpu.memref_slice %arg5[%mul3A_204, %dma_start3A_207] : memref<300032x128xf32, #tpu.memory_space<hbm>> -> memref<128x128xf32, #tpu.memory_space<hbm>>
        tpu.enqueue_dma source(%arg9 : memref<128x128xf32, #tpu.memory_space<vmem>>) target(%dma_start3A_208 : memref<128x128xf32, #tpu.memory_space<hbm>>) target_semaphore(%arg19 : memref<!tpu.dma_semaphore, #tpu.memory_space<semaphore_mem>>)
      } else {
      }
      %ge3A_108 = arith.constant 3126 : i32
      %ge3A_109 = arith.cmpi sge, %add3A_94, %ge3A_108 : i32
      %convert_element_type3A_110 = arith.extui %ge3A_109 : i1 to i32
      %cond3A_111 = arith.constant 0 : i32
      %cond3A_112 = arith.cmpi ne, %convert_element_type3A_110, %cond3A_111 : i32
      scf.if %cond3A_112 {
        %sub3A = arith.constant 3126 : i32
        %sub3A_202 = arith.subi %add3A_94, %sub3A : i32
        %mul3A_203 = arith.constant 128 : i32
        %mul3A_204 = arith.muli %sub3A_202, %mul3A_203 : i32
        %dma_start3A_205 = arith.constant 0 : i32
        %dma_start3A_206 = tpu.memref_slice %arg6[%mul3A_204, %dma_start3A_205] : memref<152832x128xf32, #tpu.memory_space<hbm>> -> memref<128x128xf32, #tpu.memory_space<hbm>>
        %dma_start3A_207 = arith.constant 0 : i32
        %dma_start3A_208 = tpu.memref_slice %arg6[%mul3A_204, %dma_start3A_207] : memref<152832x128xf32, #tpu.memory_space<hbm>> -> memref<128x128xf32, #tpu.memory_space<hbm>>
        tpu.enqueue_dma source(%arg9 : memref<128x128xf32, #tpu.memory_space<vmem>>) target(%dma_start3A_208 : memref<128x128xf32, #tpu.memory_space<hbm>>) target_semaphore(%arg19 : memref<!tpu.dma_semaphore, #tpu.memory_space<semaphore_mem>>)
      } else {
      }
      %dma_wait3A_113 = arith.constant 0 : i32
      %dma_wait3A_114 = tpu.memref_slice %arg7[%dma_wait3A_113] : memref<17280xi32, #tpu.memory_space<vmem>> -> memref<128xi32, #tpu.memory_space<vmem>>
      %dma_wait3A_115 = arith.constant 0 : i32
      %dma_wait3A_116 = arith.constant 0 : i32
      %dma_wait3A_117 = tpu.memref_slice %arg2[%dma_wait3A_115, %dma_wait3A_116] : memref<100000x128xf32, #tpu.memory_space<hbm>> -> memref<100000x128xf32, #tpu.memory_space<hbm>>
      tpu.wait_indirect_dma semaphore(%arg15 : memref<!tpu.dma_semaphore, #tpu.memory_space<semaphore_mem>>) src(%dma_wait3A_117 : memref<100000x128xf32, #tpu.memory_space<hbm>>) dst(%arg10 : memref<128x128xf32, #tpu.memory_space<vmem>>)
      %mul3A_118 = arith.constant 5 : i32
      %mul3A_119 = arith.muli %scan3A_61, %mul3A_118 : i32
      %add3A_120 = arith.constant 2 : i32
      %add3A_121 = arith.addi %mul3A_119, %add3A_120 : i32
      %add3A_122 = arith.addi %mul3A_2, %add3A_121 : i32
      %lt3A_123 = arith.constant 782 : i32
      %lt3A_124 = arith.cmpi slt, %add3A_122, %lt3A_123 : i32
      %convert_element_type3A_125 = arith.extui %lt3A_124 : i1 to i32
      %cond3A_126 = arith.constant 0 : i32
      %cond3A_127 = arith.cmpi ne, %convert_element_type3A_125, %cond3A_126 : i32
      scf.if %cond3A_127 {
        %mul3A_202 = arith.constant 128 : i32
        %mul3A_203 = arith.muli %add3A_122, %mul3A_202 : i32
        %dma_start3A_204 = arith.constant 0 : i32
        %dma_start3A_205 = tpu.memref_slice %arg4[%mul3A_203, %dma_start3A_204] : memref<100096x128xf32, #tpu.memory_space<hbm>> -> memref<128x128xf32, #tpu.memory_space<hbm>>
        %dma_start3A_206 = arith.constant 0 : i32
        %dma_start3A_207 = tpu.memref_slice %arg4[%mul3A_203, %dma_start3A_206] : memref<100096x128xf32, #tpu.memory_space<hbm>> -> memref<128x128xf32, #tpu.memory_space<hbm>>
        tpu.enqueue_dma source(%arg10 : memref<128x128xf32, #tpu.memory_space<vmem>>) target(%dma_start3A_207 : memref<128x128xf32, #tpu.memory_space<hbm>>) target_semaphore(%arg20 : memref<!tpu.dma_semaphore, #tpu.memory_space<semaphore_mem>>)
      } else {
      }
      %ge3A_128 = arith.constant 782 : i32
      %ge3A_129 = arith.cmpi sge, %add3A_122, %ge3A_128 : i32
      %lt3A_130 = arith.constant 3126 : i32
      %lt3A_131 = arith.cmpi slt, %add3A_122, %lt3A_130 : i32
      %and3A_132 = arith.andi %ge3A_129, %lt3A_131 : i1
      %convert_element_type3A_133 = arith.extui %and3A_132 : i1 to i32
      %cond3A_134 = arith.constant 0 : i32
      %cond3A_135 = arith.cmpi ne, %convert_element_type3A_133, %cond3A_134 : i32
      scf.if %cond3A_135 {
        %sub3A = arith.constant 782 : i32
        %sub3A_202 = arith.subi %add3A_122, %sub3A : i32
        %mul3A_203 = arith.constant 128 : i32
        %mul3A_204 = arith.muli %sub3A_202, %mul3A_203 : i32
        %dma_start3A_205 = arith.constant 0 : i32
        %dma_start3A_206 = tpu.memref_slice %arg5[%mul3A_204, %dma_start3A_205] : memref<300032x128xf32, #tpu.memory_space<hbm>> -> memref<128x128xf32, #tpu.memory_space<hbm>>
        %dma_start3A_207 = arith.constant 0 : i32
        %dma_start3A_208 = tpu.memref_slice %arg5[%mul3A_204, %dma_start3A_207] : memref<300032x128xf32, #tpu.memory_space<hbm>> -> memref<128x128xf32, #tpu.memory_space<hbm>>
        tpu.enqueue_dma source(%arg10 : memref<128x128xf32, #tpu.memory_space<vmem>>) target(%dma_start3A_208 : memref<128x128xf32, #tpu.memory_space<hbm>>) target_semaphore(%arg20 : memref<!tpu.dma_semaphore, #tpu.memory_space<semaphore_mem>>)
      } else {
      }
      %ge3A_136 = arith.constant 3126 : i32
      %ge3A_137 = arith.cmpi sge, %add3A_122, %ge3A_136 : i32
      %convert_element_type3A_138 = arith.extui %ge3A_137 : i1 to i32
      %cond3A_139 = arith.constant 0 : i32
      %cond3A_140 = arith.cmpi ne, %convert_element_type3A_138, %cond3A_139 : i32
      scf.if %cond3A_140 {
        %sub3A = arith.constant 3126 : i32
        %sub3A_202 = arith.subi %add3A_122, %sub3A : i32
        %mul3A_203 = arith.constant 128 : i32
        %mul3A_204 = arith.muli %sub3A_202, %mul3A_203 : i32
        %dma_start3A_205 = arith.constant 0 : i32
        %dma_start3A_206 = tpu.memref_slice %arg6[%mul3A_204, %dma_start3A_205] : memref<152832x128xf32, #tpu.memory_space<hbm>> -> memref<128x128xf32, #tpu.memory_space<hbm>>
        %dma_start3A_207 = arith.constant 0 : i32
        %dma_start3A_208 = tpu.memref_slice %arg6[%mul3A_204, %dma_start3A_207] : memref<152832x128xf32, #tpu.memory_space<hbm>> -> memref<128x128xf32, #tpu.memory_space<hbm>>
        tpu.enqueue_dma source(%arg10 : memref<128x128xf32, #tpu.memory_space<vmem>>) target(%dma_start3A_208 : memref<128x128xf32, #tpu.memory_space<hbm>>) target_semaphore(%arg20 : memref<!tpu.dma_semaphore, #tpu.memory_space<semaphore_mem>>)
      } else {
      }
      %dma_wait3A_141 = arith.constant 0 : i32
      %dma_wait3A_142 = tpu.memref_slice %arg7[%dma_wait3A_141] : memref<17280xi32, #tpu.memory_space<vmem>> -> memref<128xi32, #tpu.memory_space<vmem>>
      %dma_wait3A_143 = arith.constant 0 : i32
      %dma_wait3A_144 = arith.constant 0 : i32
      %dma_wait3A_145 = tpu.memref_slice %arg2[%dma_wait3A_143, %dma_wait3A_144] : memref<100000x128xf32, #tpu.memory_space<hbm>> -> memref<100000x128xf32, #tpu.memory_space<hbm>>
      tpu.wait_indirect_dma semaphore(%arg16 : memref<!tpu.dma_semaphore, #tpu.memory_space<semaphore_mem>>) src(%dma_wait3A_145 : memref<100000x128xf32, #tpu.memory_space<hbm>>) dst(%arg11 : memref<128x128xf32, #tpu.memory_space<vmem>>)
      %mul3A_146 = arith.constant 5 : i32
      %mul3A_147 = arith.muli %scan3A_61, %mul3A_146 : i32
      %add3A_148 = arith.constant 3 : i32
      %add3A_149 = arith.addi %mul3A_147, %add3A_148 : i32
      %add3A_150 = arith.addi %mul3A_2, %add3A_149 : i32
      %lt3A_151 = arith.constant 782 : i32
      %lt3A_152 = arith.cmpi slt, %add3A_150, %lt3A_151 : i32
      %convert_element_type3A_153 = arith.extui %lt3A_152 : i1 to i32
      %cond3A_154 = arith.constant 0 : i32
      %cond3A_155 = arith.cmpi ne, %convert_element_type3A_153, %cond3A_154 : i32
      scf.if %cond3A_155 {
        %mul3A_202 = arith.constant 128 : i32
        %mul3A_203 = arith.muli %add3A_150, %mul3A_202 : i32
        %dma_start3A_204 = arith.constant 0 : i32
        %dma_start3A_205 = tpu.memref_slice %arg4[%mul3A_203, %dma_start3A_204] : memref<100096x128xf32, #tpu.memory_space<hbm>> -> memref<128x128xf32, #tpu.memory_space<hbm>>
        %dma_start3A_206 = arith.constant 0 : i32
        %dma_start3A_207 = tpu.memref_slice %arg4[%mul3A_203, %dma_start3A_206] : memref<100096x128xf32, #tpu.memory_space<hbm>> -> memref<128x128xf32, #tpu.memory_space<hbm>>
        tpu.enqueue_dma source(%arg11 : memref<128x128xf32, #tpu.memory_space<vmem>>) target(%dma_start3A_207 : memref<128x128xf32, #tpu.memory_space<hbm>>) target_semaphore(%arg21 : memref<!tpu.dma_semaphore, #tpu.memory_space<semaphore_mem>>)
      } else {
      }
      %ge3A_156 = arith.constant 782 : i32
      %ge3A_157 = arith.cmpi sge, %add3A_150, %ge3A_156 : i32
      %lt3A_158 = arith.constant 3126 : i32
      %lt3A_159 = arith.cmpi slt, %add3A_150, %lt3A_158 : i32
      %and3A_160 = arith.andi %ge3A_157, %lt3A_159 : i1
      %convert_element_type3A_161 = arith.extui %and3A_160 : i1 to i32
      %cond3A_162 = arith.constant 0 : i32
      %cond3A_163 = arith.cmpi ne, %convert_element_type3A_161, %cond3A_162 : i32
      scf.if %cond3A_163 {
        %sub3A = arith.constant 782 : i32
        %sub3A_202 = arith.subi %add3A_150, %sub3A : i32
        %mul3A_203 = arith.constant 128 : i32
        %mul3A_204 = arith.muli %sub3A_202, %mul3A_203 : i32
        %dma_start3A_205 = arith.constant 0 : i32
        %dma_start3A_206 = tpu.memref_slice %arg5[%mul3A_204, %dma_start3A_205] : memref<300032x128xf32, #tpu.memory_space<hbm>> -> memref<128x128xf32, #tpu.memory_space<hbm>>
        %dma_start3A_207 = arith.constant 0 : i32
        %dma_start3A_208 = tpu.memref_slice %arg5[%mul3A_204, %dma_start3A_207] : memref<300032x128xf32, #tpu.memory_space<hbm>> -> memref<128x128xf32, #tpu.memory_space<hbm>>
        tpu.enqueue_dma source(%arg11 : memref<128x128xf32, #tpu.memory_space<vmem>>) target(%dma_start3A_208 : memref<128x128xf32, #tpu.memory_space<hbm>>) target_semaphore(%arg21 : memref<!tpu.dma_semaphore, #tpu.memory_space<semaphore_mem>>)
      } else {
      }
      %ge3A_164 = arith.constant 3126 : i32
      %ge3A_165 = arith.cmpi sge, %add3A_150, %ge3A_164 : i32
      %convert_element_type3A_166 = arith.extui %ge3A_165 : i1 to i32
      %cond3A_167 = arith.constant 0 : i32
      %cond3A_168 = arith.cmpi ne, %convert_element_type3A_166, %cond3A_167 : i32
      scf.if %cond3A_168 {
        %sub3A = arith.constant 3126 : i32
        %sub3A_202 = arith.subi %add3A_150, %sub3A : i32
        %mul3A_203 = arith.constant 128 : i32
        %mul3A_204 = arith.muli %sub3A_202, %mul3A_203 : i32
        %dma_start3A_205 = arith.constant 0 : i32
        %dma_start3A_206 = tpu.memref_slice %arg6[%mul3A_204, %dma_start3A_205] : memref<152832x128xf32, #tpu.memory_space<hbm>> -> memref<128x128xf32, #tpu.memory_space<hbm>>
        %dma_start3A_207 = arith.constant 0 : i32
        %dma_start3A_208 = tpu.memref_slice %arg6[%mul3A_204, %dma_start3A_207] : memref<152832x128xf32, #tpu.memory_space<hbm>> -> memref<128x128xf32, #tpu.memory_space<hbm>>
        tpu.enqueue_dma source(%arg11 : memref<128x128xf32, #tpu.memory_space<vmem>>) target(%dma_start3A_208 : memref<128x128xf32, #tpu.memory_space<hbm>>) target_semaphore(%arg21 : memref<!tpu.dma_semaphore, #tpu.memory_space<semaphore_mem>>)
      } else {
      }
      %dma_wait3A_169 = arith.constant 0 : i32
      %dma_wait3A_170 = tpu.memref_slice %arg7[%dma_wait3A_169] : memref<17280xi32, #tpu.memory_space<vmem>> -> memref<128xi32, #tpu.memory_space<vmem>>
      %dma_wait3A_171 = arith.constant 0 : i32
      %dma_wait3A_172 = arith.constant 0 : i32
      %dma_wait3A_173 = tpu.memref_slice %arg2[%dma_wait3A_171, %dma_wait3A_172] : memref<100000x128xf32, #tpu.memory_space<hbm>> -> memref<100000x128xf32, #tpu.memory_space<hbm>>
      tpu.wait_indirect_dma semaphore(%arg17 : memref<!tpu.dma_semaphore, #tpu.memory_space<semaphore_mem>>) src(%dma_wait3A_173 : memref<100000x128xf32, #tpu.memory_space<hbm>>) dst(%arg12 : memref<128x128xf32, #tpu.memory_space<vmem>>)
      %mul3A_174 = arith.constant 5 : i32
      %mul3A_175 = arith.muli %scan3A_61, %mul3A_174 : i32
      %add3A_176 = arith.constant 4 : i32
      %add3A_177 = arith.addi %mul3A_175, %add3A_176 : i32
      %add3A_178 = arith.addi %mul3A_2, %add3A_177 : i32
      %lt3A_179 = arith.constant 782 : i32
      %lt3A_180 = arith.cmpi slt, %add3A_178, %lt3A_179 : i32
      %convert_element_type3A_181 = arith.extui %lt3A_180 : i1 to i32
      %cond3A_182 = arith.constant 0 : i32
      %cond3A_183 = arith.cmpi ne, %convert_element_type3A_181, %cond3A_182 : i32
      scf.if %cond3A_183 {
        %mul3A_202 = arith.constant 128 : i32
        %mul3A_203 = arith.muli %add3A_178, %mul3A_202 : i32
        %dma_start3A_204 = arith.constant 0 : i32
        %dma_start3A_205 = tpu.memref_slice %arg4[%mul3A_203, %dma_start3A_204] : memref<100096x128xf32, #tpu.memory_space<hbm>> -> memref<128x128xf32, #tpu.memory_space<hbm>>
        %dma_start3A_206 = arith.constant 0 : i32
        %dma_start3A_207 = tpu.memref_slice %arg4[%mul3A_203, %dma_start3A_206] : memref<100096x128xf32, #tpu.memory_space<hbm>> -> memref<128x128xf32, #tpu.memory_space<hbm>>
        tpu.enqueue_dma source(%arg12 : memref<128x128xf32, #tpu.memory_space<vmem>>) target(%dma_start3A_207 : memref<128x128xf32, #tpu.memory_space<hbm>>) target_semaphore(%arg22 : memref<!tpu.dma_semaphore, #tpu.memory_space<semaphore_mem>>)
      } else {
      }
      %ge3A_184 = arith.constant 782 : i32
      %ge3A_185 = arith.cmpi sge, %add3A_178, %ge3A_184 : i32
      %lt3A_186 = arith.constant 3126 : i32
      %lt3A_187 = arith.cmpi slt, %add3A_178, %lt3A_186 : i32
      %and3A_188 = arith.andi %ge3A_185, %lt3A_187 : i1
      %convert_element_type3A_189 = arith.extui %and3A_188 : i1 to i32
      %cond3A_190 = arith.constant 0 : i32
      %cond3A_191 = arith.cmpi ne, %convert_element_type3A_189, %cond3A_190 : i32
      scf.if %cond3A_191 {
        %sub3A = arith.constant 782 : i32
        %sub3A_202 = arith.subi %add3A_178, %sub3A : i32
        %mul3A_203 = arith.constant 128 : i32
        %mul3A_204 = arith.muli %sub3A_202, %mul3A_203 : i32
        %dma_start3A_205 = arith.constant 0 : i32
        %dma_start3A_206 = tpu.memref_slice %arg5[%mul3A_204, %dma_start3A_205] : memref<300032x128xf32, #tpu.memory_space<hbm>> -> memref<128x128xf32, #tpu.memory_space<hbm>>
        %dma_start3A_207 = arith.constant 0 : i32
        %dma_start3A_208 = tpu.memref_slice %arg5[%mul3A_204, %dma_start3A_207] : memref<300032x128xf32, #tpu.memory_space<hbm>> -> memref<128x128xf32, #tpu.memory_space<hbm>>
        tpu.enqueue_dma source(%arg12 : memref<128x128xf32, #tpu.memory_space<vmem>>) target(%dma_start3A_208 : memref<128x128xf32, #tpu.memory_space<hbm>>) target_semaphore(%arg22 : memref<!tpu.dma_semaphore, #tpu.memory_space<semaphore_mem>>)
      } else {
      }
      %ge3A_192 = arith.constant 3126 : i32
      %ge3A_193 = arith.cmpi sge, %add3A_178, %ge3A_192 : i32
      %convert_element_type3A_194 = arith.extui %ge3A_193 : i1 to i32
      %cond3A_195 = arith.constant 0 : i32
      %cond3A_196 = arith.cmpi ne, %convert_element_type3A_194, %cond3A_195 : i32
      scf.if %cond3A_196 {
        %sub3A = arith.constant 3126 : i32
        %sub3A_202 = arith.subi %add3A_178, %sub3A : i32
        %mul3A_203 = arith.constant 128 : i32
        %mul3A_204 = arith.muli %sub3A_202, %mul3A_203 : i32
        %dma_start3A_205 = arith.constant 0 : i32
        %dma_start3A_206 = tpu.memref_slice %arg6[%mul3A_204, %dma_start3A_205] : memref<152832x128xf32, #tpu.memory_space<hbm>> -> memref<128x128xf32, #tpu.memory_space<hbm>>
        %dma_start3A_207 = arith.constant 0 : i32
        %dma_start3A_208 = tpu.memref_slice %arg6[%mul3A_204, %dma_start3A_207] : memref<152832x128xf32, #tpu.memory_space<hbm>> -> memref<128x128xf32, #tpu.memory_space<hbm>>
        tpu.enqueue_dma source(%arg12 : memref<128x128xf32, #tpu.memory_space<vmem>>) target(%dma_start3A_208 : memref<128x128xf32, #tpu.memory_space<hbm>>) target_semaphore(%arg22 : memref<!tpu.dma_semaphore, #tpu.memory_space<semaphore_mem>>)
      } else {
      }
      %lt3A_197 = arith.constant 26 : i32
      %lt3A_198 = arith.cmpi slt, %scan3A_61, %lt3A_197 : i32
      %convert_element_type3A_199 = arith.extui %lt3A_198 : i1 to i32
      %cond3A_200 = arith.constant 0 : i32
      %cond3A_201 = arith.cmpi ne, %convert_element_type3A_199, %cond3A_200 : i32
      scf.if %cond3A_201 {
        %dma_wait3A_202 = arith.constant 0 : i32
        %dma_wait3A_203 = arith.constant 0 : i32
        %dma_wait3A_204 = tpu.memref_slice %arg4[%dma_wait3A_202, %dma_wait3A_203] : memref<100096x128xf32, #tpu.memory_space<hbm>> -> memref<128x128xf32, #tpu.memory_space<hbm>>
        %dma_wait3A_205 = arith.constant 0 : i32
        %dma_wait3A_206 = arith.constant 0 : i32
        %dma_wait3A_207 = tpu.memref_slice %arg4[%dma_wait3A_205, %dma_wait3A_206] : memref<100096x128xf32, #tpu.memory_space<hbm>> -> memref<128x128xf32, #tpu.memory_space<hbm>>
        tpu.wait_dma2 semaphore(%arg18 : memref<!tpu.dma_semaphore, #tpu.memory_space<semaphore_mem>>) src(%arg8 : memref<128x128xf32, #tpu.memory_space<vmem>>) dst(%dma_wait3A_207 : memref<128x128xf32, #tpu.memory_space<hbm>>)
        %add3A_208 = arith.constant 1 : i32
        %add3A_209 = arith.addi %scan3A_61, %add3A_208 : i32
        %mul3A_210 = arith.constant 5 : i32
        %mul3A_211 = arith.muli %add3A_209, %mul3A_210 : i32
        %add3A_212 = arith.constant 0 : i32
        %add3A_213 = arith.addi %mul3A_211, %add3A_212 : i32
        %mul3A_214 = arith.constant 128 : i32
        %mul3A_215 = arith.muli %add3A_213, %mul3A_214 : i32
        %dma_start3A_216 = tpu.memref_slice %arg7[%mul3A_215] : memref<17280xi32, #tpu.memory_space<vmem>> -> memref<128xi32, #tpu.memory_space<vmem>>
        %dma_start3A_217 = arith.constant 0 : i32
        %dma_start3A_218 = arith.constant 0 : i32
        %dma_start3A_219 = tpu.memref_slice %arg2[%dma_start3A_217, %dma_start3A_218] : memref<100000x128xf32, #tpu.memory_space<hbm>> -> memref<100000x128xf32, #tpu.memory_space<hbm>>
        tpu.enqueue_indirect_dma source(%dma_start3A_219 : memref<100000x128xf32, #tpu.memory_space<hbm>>) target(%arg8 : memref<128x128xf32, #tpu.memory_space<vmem>>) offsets(%dma_start3A_216 : memref<128xi32, #tpu.memory_space<vmem>>) semaphore(%arg13 : memref<!tpu.dma_semaphore, #tpu.memory_space<semaphore_mem>>)
        %dma_wait3A_220 = arith.constant 0 : i32
        %dma_wait3A_221 = arith.constant 0 : i32
        %dma_wait3A_222 = tpu.memref_slice %arg4[%dma_wait3A_220, %dma_wait3A_221] : memref<100096x128xf32, #tpu.memory_space<hbm>> -> memref<128x128xf32, #tpu.memory_space<hbm>>
        %dma_wait3A_223 = arith.constant 0 : i32
        %dma_wait3A_224 = arith.constant 0 : i32
        %dma_wait3A_225 = tpu.memref_slice %arg4[%dma_wait3A_223, %dma_wait3A_224] : memref<100096x128xf32, #tpu.memory_space<hbm>> -> memref<128x128xf32, #tpu.memory_space<hbm>>
        tpu.wait_dma2 semaphore(%arg19 : memref<!tpu.dma_semaphore, #tpu.memory_space<semaphore_mem>>) src(%arg9 : memref<128x128xf32, #tpu.memory_space<vmem>>) dst(%dma_wait3A_225 : memref<128x128xf32, #tpu.memory_space<hbm>>)
        %add3A_226 = arith.constant 1 : i32
        %add3A_227 = arith.addi %scan3A_61, %add3A_226 : i32
        %mul3A_228 = arith.constant 5 : i32
        %mul3A_229 = arith.muli %add3A_227, %mul3A_228 : i32
        %add3A_230 = arith.constant 1 : i32
        %add3A_231 = arith.addi %mul3A_229, %add3A_230 : i32
        %mul3A_232 = arith.constant 128 : i32
        %mul3A_233 = arith.muli %add3A_231, %mul3A_232 : i32
        %dma_start3A_234 = tpu.memref_slice %arg7[%mul3A_233] : memref<17280xi32, #tpu.memory_space<vmem>> -> memref<128xi32, #tpu.memory_space<vmem>>
        %dma_start3A_235 = arith.constant 0 : i32
        %dma_start3A_236 = arith.constant 0 : i32
        %dma_start3A_237 = tpu.memref_slice %arg2[%dma_start3A_235, %dma_start3A_236] : memref<100000x128xf32, #tpu.memory_space<hbm>> -> memref<100000x128xf32, #tpu.memory_space<hbm>>
        tpu.enqueue_indirect_dma source(%dma_start3A_237 : memref<100000x128xf32, #tpu.memory_space<hbm>>) target(%arg9 : memref<128x128xf32, #tpu.memory_space<vmem>>) offsets(%dma_start3A_234 : memref<128xi32, #tpu.memory_space<vmem>>) semaphore(%arg14 : memref<!tpu.dma_semaphore, #tpu.memory_space<semaphore_mem>>)
        %dma_wait3A_238 = arith.constant 0 : i32
        %dma_wait3A_239 = arith.constant 0 : i32
        %dma_wait3A_240 = tpu.memref_slice %arg4[%dma_wait3A_238, %dma_wait3A_239] : memref<100096x128xf32, #tpu.memory_space<hbm>> -> memref<128x128xf32, #tpu.memory_space<hbm>>
        %dma_wait3A_241 = arith.constant 0 : i32
        %dma_wait3A_242 = arith.constant 0 : i32
        %dma_wait3A_243 = tpu.memref_slice %arg4[%dma_wait3A_241, %dma_wait3A_242] : memref<100096x128xf32, #tpu.memory_space<hbm>> -> memref<128x128xf32, #tpu.memory_space<hbm>>
        tpu.wait_dma2 semaphore(%arg20 : memref<!tpu.dma_semaphore, #tpu.memory_space<semaphore_mem>>) src(%arg10 : memref<128x128xf32, #tpu.memory_space<vmem>>) dst(%dma_wait3A_243 : memref<128x128xf32, #tpu.memory_space<hbm>>)
        %add3A_244 = arith.constant 1 : i32
        %add3A_245 = arith.addi %scan3A_61, %add3A_244 : i32
        %mul3A_246 = arith.constant 5 : i32
        %mul3A_247 = arith.muli %add3A_245, %mul3A_246 : i32
        %add3A_248 = arith.constant 2 : i32
        %add3A_249 = arith.addi %mul3A_247, %add3A_248 : i32
        %mul3A_250 = arith.constant 128 : i32
        %mul3A_251 = arith.muli %add3A_249, %mul3A_250 : i32
        %dma_start3A_252 = tpu.memref_slice %arg7[%mul3A_251] : memref<17280xi32, #tpu.memory_space<vmem>> -> memref<128xi32, #tpu.memory_space<vmem>>
        %dma_start3A_253 = arith.constant 0 : i32
        %dma_start3A_254 = arith.constant 0 : i32
        %dma_start3A_255 = tpu.memref_slice %arg2[%dma_start3A_253, %dma_start3A_254] : memref<100000x128xf32, #tpu.memory_space<hbm>> -> memref<100000x128xf32, #tpu.memory_space<hbm>>
        tpu.enqueue_indirect_dma source(%dma_start3A_255 : memref<100000x128xf32, #tpu.memory_space<hbm>>) target(%arg10 : memref<128x128xf32, #tpu.memory_space<vmem>>) offsets(%dma_start3A_252 : memref<128xi32, #tpu.memory_space<vmem>>) semaphore(%arg15 : memref<!tpu.dma_semaphore, #tpu.memory_space<semaphore_mem>>)
        %dma_wait3A_256 = arith.constant 0 : i32
        %dma_wait3A_257 = arith.constant 0 : i32
        %dma_wait3A_258 = tpu.memref_slice %arg4[%dma_wait3A_256, %dma_wait3A_257] : memref<100096x128xf32, #tpu.memory_space<hbm>> -> memref<128x128xf32, #tpu.memory_space<hbm>>
        %dma_wait3A_259 = arith.constant 0 : i32
        %dma_wait3A_260 = arith.constant 0 : i32
        %dma_wait3A_261 = tpu.memref_slice %arg4[%dma_wait3A_259, %dma_wait3A_260] : memref<100096x128xf32, #tpu.memory_space<hbm>> -> memref<128x128xf32, #tpu.memory_space<hbm>>
        tpu.wait_dma2 semaphore(%arg21 : memref<!tpu.dma_semaphore, #tpu.memory_space<semaphore_mem>>) src(%arg11 : memref<128x128xf32, #tpu.memory_space<vmem>>) dst(%dma_wait3A_261 : memref<128x128xf32, #tpu.memory_space<hbm>>)
        %add3A_262 = arith.constant 1 : i32
        %add3A_263 = arith.addi %scan3A_61, %add3A_262 : i32
        %mul3A_264 = arith.constant 5 : i32
        %mul3A_265 = arith.muli %add3A_263, %mul3A_264 : i32
        %add3A_266 = arith.constant 3 : i32
        %add3A_267 = arith.addi %mul3A_265, %add3A_266 : i32
        %mul3A_268 = arith.constant 128 : i32
        %mul3A_269 = arith.muli %add3A_267, %mul3A_268 : i32
        %dma_start3A_270 = tpu.memref_slice %arg7[%mul3A_269] : memref<17280xi32, #tpu.memory_space<vmem>> -> memref<128xi32, #tpu.memory_space<vmem>>
        %dma_start3A_271 = arith.constant 0 : i32
        %dma_start3A_272 = arith.constant 0 : i32
        %dma_start3A_273 = tpu.memref_slice %arg2[%dma_start3A_271, %dma_start3A_272] : memref<100000x128xf32, #tpu.memory_space<hbm>> -> memref<100000x128xf32, #tpu.memory_space<hbm>>
        tpu.enqueue_indirect_dma source(%dma_start3A_273 : memref<100000x128xf32, #tpu.memory_space<hbm>>) target(%arg11 : memref<128x128xf32, #tpu.memory_space<vmem>>) offsets(%dma_start3A_270 : memref<128xi32, #tpu.memory_space<vmem>>) semaphore(%arg16 : memref<!tpu.dma_semaphore, #tpu.memory_space<semaphore_mem>>)
        %dma_wait3A_274 = arith.constant 0 : i32
        %dma_wait3A_275 = arith.constant 0 : i32
        %dma_wait3A_276 = tpu.memref_slice %arg4[%dma_wait3A_274, %dma_wait3A_275] : memref<100096x128xf32, #tpu.memory_space<hbm>> -> memref<128x128xf32, #tpu.memory_space<hbm>>
        %dma_wait3A_277 = arith.constant 0 : i32
        %dma_wait3A_278 = arith.constant 0 : i32
        %dma_wait3A_279 = tpu.memref_slice %arg4[%dma_wait3A_277, %dma_wait3A_278] : memref<100096x128xf32, #tpu.memory_space<hbm>> -> memref<128x128xf32, #tpu.memory_space<hbm>>
        tpu.wait_dma2 semaphore(%arg22 : memref<!tpu.dma_semaphore, #tpu.memory_space<semaphore_mem>>) src(%arg12 : memref<128x128xf32, #tpu.memory_space<vmem>>) dst(%dma_wait3A_279 : memref<128x128xf32, #tpu.memory_space<hbm>>)
        %add3A_280 = arith.constant 1 : i32
        %add3A_281 = arith.addi %scan3A_61, %add3A_280 : i32
        %mul3A_282 = arith.constant 5 : i32
        %mul3A_283 = arith.muli %add3A_281, %mul3A_282 : i32
        %add3A_284 = arith.constant 4 : i32
        %add3A_285 = arith.addi %mul3A_283, %add3A_284 : i32
        %mul3A_286 = arith.constant 128 : i32
        %mul3A_287 = arith.muli %add3A_285, %mul3A_286 : i32
        %dma_start3A_288 = tpu.memref_slice %arg7[%mul3A_287] : memref<17280xi32, #tpu.memory_space<vmem>> -> memref<128xi32, #tpu.memory_space<vmem>>
        %dma_start3A_289 = arith.constant 0 : i32
        %dma_start3A_290 = arith.constant 0 : i32
        %dma_start3A_291 = tpu.memref_slice %arg2[%dma_start3A_289, %dma_start3A_290] : memref<100000x128xf32, #tpu.memory_space<hbm>> -> memref<100000x128xf32, #tpu.memory_space<hbm>>
        tpu.enqueue_indirect_dma source(%dma_start3A_291 : memref<100000x128xf32, #tpu.memory_space<hbm>>) target(%arg12 : memref<128x128xf32, #tpu.memory_space<vmem>>) offsets(%dma_start3A_288 : memref<128xi32, #tpu.memory_space<vmem>>) semaphore(%arg17 : memref<!tpu.dma_semaphore, #tpu.memory_space<semaphore_mem>>)
      } else {
      }
    }
    %scan3A_31 = arith.constant 27 : i32
    %dma_wait3A = arith.constant 0 : i32
    %dma_wait3A_32 = arith.constant 0 : i32
    %dma_wait3A_33 = tpu.memref_slice %arg4[%dma_wait3A, %dma_wait3A_32] : memref<100096x128xf32, #tpu.memory_space<hbm>> -> memref<128x128xf32, #tpu.memory_space<hbm>>
    %dma_wait3A_34 = arith.constant 0 : i32
    %dma_wait3A_35 = arith.constant 0 : i32
    %dma_wait3A_36 = tpu.memref_slice %arg4[%dma_wait3A_34, %dma_wait3A_35] : memref<100096x128xf32, #tpu.memory_space<hbm>> -> memref<128x128xf32, #tpu.memory_space<hbm>>
    tpu.wait_dma2 semaphore(%arg18 : memref<!tpu.dma_semaphore, #tpu.memory_space<semaphore_mem>>) src(%arg8 : memref<128x128xf32, #tpu.memory_space<vmem>>) dst(%dma_wait3A_36 : memref<128x128xf32, #tpu.memory_space<hbm>>)
    %dma_wait3A_37 = arith.constant 0 : i32
    %dma_wait3A_38 = arith.constant 0 : i32
    %dma_wait3A_39 = tpu.memref_slice %arg4[%dma_wait3A_37, %dma_wait3A_38] : memref<100096x128xf32, #tpu.memory_space<hbm>> -> memref<128x128xf32, #tpu.memory_space<hbm>>
    %dma_wait3A_40 = arith.constant 0 : i32
    %dma_wait3A_41 = arith.constant 0 : i32
    %dma_wait3A_42 = tpu.memref_slice %arg4[%dma_wait3A_40, %dma_wait3A_41] : memref<100096x128xf32, #tpu.memory_space<hbm>> -> memref<128x128xf32, #tpu.memory_space<hbm>>
    tpu.wait_dma2 semaphore(%arg19 : memref<!tpu.dma_semaphore, #tpu.memory_space<semaphore_mem>>) src(%arg9 : memref<128x128xf32, #tpu.memory_space<vmem>>) dst(%dma_wait3A_42 : memref<128x128xf32, #tpu.memory_space<hbm>>)
    %dma_wait3A_43 = arith.constant 0 : i32
    %dma_wait3A_44 = arith.constant 0 : i32
    %dma_wait3A_45 = tpu.memref_slice %arg4[%dma_wait3A_43, %dma_wait3A_44] : memref<100096x128xf32, #tpu.memory_space<hbm>> -> memref<128x128xf32, #tpu.memory_space<hbm>>
    %dma_wait3A_46 = arith.constant 0 : i32
    %dma_wait3A_47 = arith.constant 0 : i32
    %dma_wait3A_48 = tpu.memref_slice %arg4[%dma_wait3A_46, %dma_wait3A_47] : memref<100096x128xf32, #tpu.memory_space<hbm>> -> memref<128x128xf32, #tpu.memory_space<hbm>>
    tpu.wait_dma2 semaphore(%arg20 : memref<!tpu.dma_semaphore, #tpu.memory_space<semaphore_mem>>) src(%arg10 : memref<128x128xf32, #tpu.memory_space<vmem>>) dst(%dma_wait3A_48 : memref<128x128xf32, #tpu.memory_space<hbm>>)
    %dma_wait3A_49 = arith.constant 0 : i32
    %dma_wait3A_50 = arith.constant 0 : i32
    %dma_wait3A_51 = tpu.memref_slice %arg4[%dma_wait3A_49, %dma_wait3A_50] : memref<100096x128xf32, #tpu.memory_space<hbm>> -> memref<128x128xf32, #tpu.memory_space<hbm>>
    %dma_wait3A_52 = arith.constant 0 : i32
    %dma_wait3A_53 = arith.constant 0 : i32
    %dma_wait3A_54 = tpu.memref_slice %arg4[%dma_wait3A_52, %dma_wait3A_53] : memref<100096x128xf32, #tpu.memory_space<hbm>> -> memref<128x128xf32, #tpu.memory_space<hbm>>
    tpu.wait_dma2 semaphore(%arg21 : memref<!tpu.dma_semaphore, #tpu.memory_space<semaphore_mem>>) src(%arg11 : memref<128x128xf32, #tpu.memory_space<vmem>>) dst(%dma_wait3A_54 : memref<128x128xf32, #tpu.memory_space<hbm>>)
    %dma_wait3A_55 = arith.constant 0 : i32
    %dma_wait3A_56 = arith.constant 0 : i32
    %dma_wait3A_57 = tpu.memref_slice %arg4[%dma_wait3A_55, %dma_wait3A_56] : memref<100096x128xf32, #tpu.memory_space<hbm>> -> memref<128x128xf32, #tpu.memory_space<hbm>>
    %dma_wait3A_58 = arith.constant 0 : i32
    %dma_wait3A_59 = arith.constant 0 : i32
    %dma_wait3A_60 = tpu.memref_slice %arg4[%dma_wait3A_58, %dma_wait3A_59] : memref<100096x128xf32, #tpu.memory_space<hbm>> -> memref<128x128xf32, #tpu.memory_space<hbm>>
    tpu.wait_dma2 semaphore(%arg22 : memref<!tpu.dma_semaphore, #tpu.memory_space<semaphore_mem>>) src(%arg12 : memref<128x128xf32, #tpu.memory_space<vmem>>) dst(%dma_wait3A_60 : memref<128x128xf32, #tpu.memory_space<hbm>>)
    return
  }
}

module attributes {stable_mosaic.version = 14 : i64} {
  func.func @body(%arg0: i32, %arg1: memref<2000x128xf32, #tpu.memory_space<vmem>>, %arg2: memref<256x256xf32, #tpu.memory_space<vmem>>, %arg3: memref<1x256xf32, #tpu.memory_space<vmem>>, %arg4: memref<256x256xf32, #tpu.memory_space<vmem>>, %arg5: memref<1x256xf32, #tpu.memory_space<vmem>>, %arg6: memref<2000x128xf32, #tpu.memory_space<vmem>>) attributes {dimension_semantics = [#tpu.dimension_semantics<parallel>], iteration_bounds = array<i64: 150>, scalar_prefetch = 0 : i64, scratch_operands = 0 : i64, tpu.core_type = #tpu.core_type<tc>, window_params = [{transform_indices = @transform_0, window_bounds = array<i64: 2000, 128>}, {pipeline_mode = #tpu.pipeline_mode<synchronous>, transform_indices = @transform_1, window_bounds = array<i64: 256, 256>}, {pipeline_mode = #tpu.pipeline_mode<synchronous>, transform_indices = @transform_2, window_bounds = array<i64: 1, 256>}, {pipeline_mode = #tpu.pipeline_mode<synchronous>, transform_indices = @transform_3, window_bounds = array<i64: 256, 256>}, {pipeline_mode = #tpu.pipeline_mode<synchronous>, transform_indices = @transform_4, window_bounds = array<i64: 1, 256>}, {transform_indices = @transform_5, window_bounds = array<i64: 2000, 128>}]} {
    %get3A = arith.constant 0 : index
    %get3A_0 = arith.constant 0 : index
    %get3A_1 = vector.load %arg1[%get3A, %get3A_0] : memref<2000x128xf32, #tpu.memory_space<vmem>>, vector<2000x128xf32>
    %reshape3A = vector.shape_cast %get3A_1 : vector<2000x128xf32> to vector<1000x256xf32>
    %get3A_2 = arith.constant 0 : index
    %get3A_3 = arith.constant 0 : index
    %get3A_4 = vector.load %arg2[%get3A_2, %get3A_3] : memref<256x256xf32, #tpu.memory_space<vmem>>, vector<256x256xf32>
    %dot_general3A = arith.constant dense<0.000000e+00> : vector<1000x256xf32>
    %dot_general3A_5 = tpu.matmul %reshape3A, %get3A_4, %dot_general3A {dimension_numbers = #tpu.dot_dimension_numbers<[1], [0], [0], [1], [0, 0, 1, 1], [], []>, transpose_lhs_hint = false} : vector<1000x256xf32>, vector<256x256xf32>, vector<1000x256xf32> -> vector<1000x256xf32>
    %get3A_6 = arith.constant 0 : index
    %get3A_7 = arith.constant 0 : index
    %get3A_8 = vector.load %arg3[%get3A_6, %get3A_7] : memref<1x256xf32, #tpu.memory_space<vmem>>, vector<1x256xf32>
    %add3A = vector.broadcast %get3A_8 : vector<1x256xf32> to vector<1000x256xf32>
    %add3A_9 = arith.addf %dot_general3A_5, %add3A : vector<1000x256xf32>
    %custom_jvp_call3A = arith.constant 0.000000e+00 : f32
    %max3A = vector.broadcast %custom_jvp_call3A : f32 to vector<1000x256xf32>
    %max3A_10 = arith.maximumf %add3A_9, %max3A : vector<1000x256xf32>
    %sub3A = vector.broadcast %custom_jvp_call3A : f32 to vector<1000x256xf32>
    %sub3A_11 = arith.subf %add3A_9, %sub3A : vector<1000x256xf32>
    %ne3A = arith.cmpf one, %sub3A_11, %sub3A_11 : vector<1000x256xf32>
    %add3A_12 = vector.broadcast %custom_jvp_call3A : f32 to vector<1000x256xf32>
    %add3A_13 = arith.addf %add3A_9, %add3A_12 : vector<1000x256xf32>
    %abs3A = math.absf %sub3A_11 : vector<1000x256xf32>
    %neg3A = arith.constant 0.000000e+00 : f32
    %neg3A_14 = vector.broadcast %neg3A : f32 to vector<1000x256xf32>
    %neg3A_15 = arith.subf %neg3A_14, %abs3A : vector<1000x256xf32>
    %exp3A = math.exp %neg3A_15 : vector<1000x256xf32>
    %log1p3A = math.log1p %exp3A : vector<1000x256xf32>
    %add3A_16 = arith.addf %max3A_10, %log1p3A : vector<1000x256xf32>
    %select_n3A = arith.select %ne3A, %add3A_13, %add3A_16 : vector<1000x256xi1>, vector<1000x256xf32>
    %tanh3A = math.tanh %select_n3A : vector<1000x256xf32>
    %mul3A = arith.mulf %add3A_9, %tanh3A : vector<1000x256xf32>
    %get3A_17 = arith.constant 0 : index
    %get3A_18 = arith.constant 0 : index
    %get3A_19 = vector.load %arg4[%get3A_17, %get3A_18] : memref<256x256xf32, #tpu.memory_space<vmem>>, vector<256x256xf32>
    %dot_general3A_20 = arith.constant dense<0.000000e+00> : vector<1000x256xf32>
    %dot_general3A_21 = tpu.matmul %mul3A, %get3A_19, %dot_general3A_20 {dimension_numbers = #tpu.dot_dimension_numbers<[1], [0], [0], [1], [0, 0, 1, 1], [], []>, transpose_lhs_hint = false} : vector<1000x256xf32>, vector<256x256xf32>, vector<1000x256xf32> -> vector<1000x256xf32>
    %add3A_22 = arith.addf %reshape3A, %dot_general3A_21 : vector<1000x256xf32>
    %get3A_23 = arith.constant 0 : index
    %get3A_24 = arith.constant 0 : index
    %get3A_25 = vector.load %arg5[%get3A_23, %get3A_24] : memref<1x256xf32, #tpu.memory_space<vmem>>, vector<1x256xf32>
    %add3A_26 = vector.broadcast %get3A_25 : vector<1x256xf32> to vector<1000x256xf32>
    %add3A_27 = arith.addf %add3A_22, %add3A_26 : vector<1000x256xf32>
    %reshape3A_28 = vector.shape_cast %add3A_27 : vector<1000x256xf32> to vector<2000x128xf32>
    %swap3A = arith.constant 0 : index
    %swap3A_29 = arith.constant 0 : index
    %swap3A_30 = vector.load %arg6[%swap3A, %swap3A_29] : memref<2000x128xf32, #tpu.memory_space<vmem>>, vector<2000x128xf32>
    tpu.vector_store %arg6[%swap3A, %swap3A_29], %reshape3A_28 {strides = array<i32>} : memref<2000x128xf32, #tpu.memory_space<vmem>>, vector<2000x128xf32>,
    return
  }
  func.func @transform_0(%arg0: i32) -> (i32, i32) {
    %c0_i32 = arith.constant 0 : i32
    %c0_i32_0 = arith.constant 0 : i32
    return %arg0, %c0_i32 : i32, i32
  }
  func.func @transform_1(%arg0: i32) -> (i32, i32) {
    %c0_i32 = arith.constant 0 : i32
    %c0_i32_0 = arith.constant 0 : i32
    %c0_i32_1 = arith.constant 0 : i32
    return %c0_i32, %c0_i32_0 : i32, i32
  }
  func.func @transform_2(%arg0: i32) -> (i32, i32) {
    %c0_i32 = arith.constant 0 : i32
    %c0_i32_0 = arith.constant 0 : i32
    %c0_i32_1 = arith.constant 0 : i32
    return %c0_i32, %c0_i32_0 : i32, i32
  }
  func.func @transform_3(%arg0: i32) -> (i32, i32) {
    %c0_i32 = arith.constant 0 : i32
    %c0_i32_0 = arith.constant 0 : i32
    %c0_i32_1 = arith.constant 0 : i32
    return %c0_i32, %c0_i32_0 : i32, i32
  }
  func.func @transform_4(%arg0: i32) -> (i32, i32) {
    %c0_i32 = arith.constant 0 : i32
    %c0_i32_0 = arith.constant 0 : i32
    %c0_i32_1 = arith.constant 0 : i32
    return %c0_i32, %c0_i32_0 : i32, i32
  }
  func.func @transform_5(%arg0: i32) -> (i32, i32) {
    %c0_i32 = arith.constant 0 : i32
    %c0_i32_0 = arith.constant 0 : i32
    return %arg0, %c0_i32 : i32, i32
  }
}

module attributes {stable_mosaic.version = 14 : i64} {
  func.func @body(%arg0: i32, %arg1: memref<1000x128xf32, #tpu.memory_space<vmem>>, %arg2: memref<128x128xf32, #tpu.memory_space<vmem>>, %arg3: memref<1x128xf32, #tpu.memory_space<vmem>>, %arg4: memref<128x128xf32, #tpu.memory_space<vmem>>, %arg5: memref<1x128xf32, #tpu.memory_space<vmem>>, %arg6: memref<1000x128xf32, #tpu.memory_space<vmem>>) attributes {dimension_semantics = [#tpu.dimension_semantics<parallel>], iteration_bounds = array<i64: 100>, scalar_prefetch = 0 : i64, scratch_operands = 0 : i64, tpu.core_type = #tpu.core_type<tc>, window_params = [{transform_indices = @transform_0, window_bounds = array<i64: 1000, 128>}, {pipeline_mode = #tpu.pipeline_mode<synchronous>, transform_indices = @transform_1, window_bounds = array<i64: 128, 128>}, {pipeline_mode = #tpu.pipeline_mode<synchronous>, transform_indices = @transform_2, window_bounds = array<i64: 1, 128>}, {pipeline_mode = #tpu.pipeline_mode<synchronous>, transform_indices = @transform_3, window_bounds = array<i64: 128, 128>}, {pipeline_mode = #tpu.pipeline_mode<synchronous>, transform_indices = @transform_4, window_bounds = array<i64: 1, 128>}, {transform_indices = @transform_5, window_bounds = array<i64: 1000, 128>}]} {
    %get3A = arith.constant 0 : index
    %get3A_0 = arith.constant 0 : index
    %get3A_1 = vector.load %arg1[%get3A, %get3A_0] : memref<1000x128xf32, #tpu.memory_space<vmem>>, vector<1000x128xf32>
    %get3A_2 = arith.constant 0 : index
    %get3A_3 = arith.constant 0 : index
    %get3A_4 = vector.load %arg2[%get3A_2, %get3A_3] : memref<128x128xf32, #tpu.memory_space<vmem>>, vector<128x128xf32>
    %dot_general3A = arith.constant dense<0.000000e+00> : vector<1000x128xf32>
    %dot_general3A_5 = tpu.matmul %get3A_1, %get3A_4, %dot_general3A {dimension_numbers = #tpu.dot_dimension_numbers<[1], [0], [0], [1], [0, 0, 1, 1], [], []>, transpose_lhs_hint = false} : vector<1000x128xf32>, vector<128x128xf32>, vector<1000x128xf32> -> vector<1000x128xf32>
    %get3A_6 = arith.constant 0 : index
    %get3A_7 = arith.constant 0 : index
    %get3A_8 = vector.load %arg3[%get3A_6, %get3A_7] : memref<1x128xf32, #tpu.memory_space<vmem>>, vector<1x128xf32>
    %add3A = vector.broadcast %get3A_8 : vector<1x128xf32> to vector<1000x128xf32>
    %add3A_9 = arith.addf %dot_general3A_5, %add3A : vector<1000x128xf32>
    %custom_jvp_call3A = arith.constant 0.000000e+00 : f32
    %max3A = vector.broadcast %custom_jvp_call3A : f32 to vector<1000x128xf32>
    %max3A_10 = arith.maximumf %add3A_9, %max3A : vector<1000x128xf32>
    %sub3A = vector.broadcast %custom_jvp_call3A : f32 to vector<1000x128xf32>
    %sub3A_11 = arith.subf %add3A_9, %sub3A : vector<1000x128xf32>
    %ne3A = arith.cmpf one, %sub3A_11, %sub3A_11 : vector<1000x128xf32>
    %add3A_12 = vector.broadcast %custom_jvp_call3A : f32 to vector<1000x128xf32>
    %add3A_13 = arith.addf %add3A_9, %add3A_12 : vector<1000x128xf32>
    %abs3A = math.absf %sub3A_11 : vector<1000x128xf32>
    %neg3A = arith.constant 0.000000e+00 : f32
    %neg3A_14 = vector.broadcast %neg3A : f32 to vector<1000x128xf32>
    %neg3A_15 = arith.subf %neg3A_14, %abs3A : vector<1000x128xf32>
    %exp3A = math.exp %neg3A_15 : vector<1000x128xf32>
    %log1p3A = math.log1p %exp3A : vector<1000x128xf32>
    %add3A_16 = arith.addf %max3A_10, %log1p3A : vector<1000x128xf32>
    %select_n3A = arith.select %ne3A, %add3A_13, %add3A_16 : vector<1000x128xi1>, vector<1000x128xf32>
    %tanh3A = math.tanh %select_n3A : vector<1000x128xf32>
    %mul3A = arith.mulf %add3A_9, %tanh3A : vector<1000x128xf32>
    %get3A_17 = arith.constant 0 : index
    %get3A_18 = arith.constant 0 : index
    %get3A_19 = vector.load %arg4[%get3A_17, %get3A_18] : memref<128x128xf32, #tpu.memory_space<vmem>>, vector<128x128xf32>
    %dot_general3A_20 = arith.constant dense<0.000000e+00> : vector<1000x128xf32>
    %dot_general3A_21 = tpu.matmul %mul3A, %get3A_19, %dot_general3A_20 {dimension_numbers = #tpu.dot_dimension_numbers<[1], [0], [0], [1], [0, 0, 1, 1], [], []>, transpose_lhs_hint = false} : vector<1000x128xf32>, vector<128x128xf32>, vector<1000x128xf32> -> vector<1000x128xf32>
    %add3A_22 = arith.addf %get3A_1, %dot_general3A_21 : vector<1000x128xf32>
    %get3A_23 = arith.constant 0 : index
    %get3A_24 = arith.constant 0 : index
    %get3A_25 = vector.load %arg5[%get3A_23, %get3A_24] : memref<1x128xf32, #tpu.memory_space<vmem>>, vector<1x128xf32>
    %add3A_26 = vector.broadcast %get3A_25 : vector<1x128xf32> to vector<1000x128xf32>
    %add3A_27 = arith.addf %add3A_22, %add3A_26 : vector<1000x128xf32>
    %swap3A = arith.constant 0 : index
    %swap3A_28 = arith.constant 0 : index
    %swap3A_29 = vector.load %arg6[%swap3A, %swap3A_28] : memref<1000x128xf32, #tpu.memory_space<vmem>>, vector<1000x128xf32>
    tpu.vector_store %arg6[%swap3A, %swap3A_28], %add3A_27 {strides = array<i32>} : memref<1000x128xf32, #tpu.memory_space<vmem>>, vector<1000x128xf32>,
    return
  }
  func.func @transform_0(%arg0: i32) -> (i32, i32) {
    %c0_i32 = arith.constant 0 : i32
    %c0_i32_0 = arith.constant 0 : i32
    return %arg0, %c0_i32 : i32, i32
  }
  func.func @transform_1(%arg0: i32) -> (i32, i32) {
    %c0_i32 = arith.constant 0 : i32
    %c0_i32_0 = arith.constant 0 : i32
    %c0_i32_1 = arith.constant 0 : i32
    return %c0_i32, %c0_i32_0 : i32, i32
  }
  func.func @transform_2(%arg0: i32) -> (i32, i32) {
    %c0_i32 = arith.constant 0 : i32
    %c0_i32_0 = arith.constant 0 : i32
    %c0_i32_1 = arith.constant 0 : i32
    return %c0_i32, %c0_i32_0 : i32, i32
  }
  func.func @transform_3(%arg0: i32) -> (i32, i32) {
    %c0_i32 = arith.constant 0 : i32
    %c0_i32_0 = arith.constant 0 : i32
    %c0_i32_1 = arith.constant 0 : i32
    return %c0_i32, %c0_i32_0 : i32, i32
  }
  func.func @transform_4(%arg0: i32) -> (i32, i32) {
    %c0_i32 = arith.constant 0 : i32
    %c0_i32_0 = arith.constant 0 : i32
    %c0_i32_1 = arith.constant 0 : i32
    return %c0_i32, %c0_i32_0 : i32, i32
  }
  func.func @transform_5(%arg0: i32) -> (i32, i32) {
    %c0_i32 = arith.constant 0 : i32
    %c0_i32_0 = arith.constant 0 : i32
    return %arg0, %c0_i32 : i32, i32
  }
}

module attributes {stable_mosaic.version = 14 : i64} {
  func.func @body(%arg0: i32, %arg1: memref<3000x128xf32, #tpu.memory_space<vmem>>, %arg2: memref<384x384xf32, #tpu.memory_space<vmem>>, %arg3: memref<1x384xf32, #tpu.memory_space<vmem>>, %arg4: memref<384x384xf32, #tpu.memory_space<vmem>>, %arg5: memref<1x384xf32, #tpu.memory_space<vmem>>, %arg6: memref<3000x128xf32, #tpu.memory_space<vmem>>) attributes {dimension_semantics = [#tpu.dimension_semantics<parallel>], iteration_bounds = array<i64: 50>, scalar_prefetch = 0 : i64, scratch_operands = 0 : i64, tpu.core_type = #tpu.core_type<tc>, window_params = [{transform_indices = @transform_0, window_bounds = array<i64: 3000, 128>}, {pipeline_mode = #tpu.pipeline_mode<synchronous>, transform_indices = @transform_1, window_bounds = array<i64: 384, 384>}, {pipeline_mode = #tpu.pipeline_mode<synchronous>, transform_indices = @transform_2, window_bounds = array<i64: 1, 384>}, {pipeline_mode = #tpu.pipeline_mode<synchronous>, transform_indices = @transform_3, window_bounds = array<i64: 384, 384>}, {pipeline_mode = #tpu.pipeline_mode<synchronous>, transform_indices = @transform_4, window_bounds = array<i64: 1, 384>}, {transform_indices = @transform_5, window_bounds = array<i64: 3000, 128>}]} {
    %get3A = arith.constant 0 : index
    %get3A_0 = arith.constant 0 : index
    %get3A_1 = vector.load %arg1[%get3A, %get3A_0] : memref<3000x128xf32, #tpu.memory_space<vmem>>, vector<3000x128xf32>
    %reshape3A = vector.shape_cast %get3A_1 : vector<3000x128xf32> to vector<1000x384xf32>
    %get3A_2 = arith.constant 0 : index
    %get3A_3 = arith.constant 0 : index
    %get3A_4 = vector.load %arg2[%get3A_2, %get3A_3] : memref<384x384xf32, #tpu.memory_space<vmem>>, vector<384x384xf32>
    %dot_general3A = arith.constant dense<0.000000e+00> : vector<1000x384xf32>
    %dot_general3A_5 = tpu.matmul %reshape3A, %get3A_4, %dot_general3A {dimension_numbers = #tpu.dot_dimension_numbers<[1], [0], [0], [1], [0, 0, 1, 1], [], []>, transpose_lhs_hint = false} : vector<1000x384xf32>, vector<384x384xf32>, vector<1000x384xf32> -> vector<1000x384xf32>
    %get3A_6 = arith.constant 0 : index
    %get3A_7 = arith.constant 0 : index
    %get3A_8 = vector.load %arg3[%get3A_6, %get3A_7] : memref<1x384xf32, #tpu.memory_space<vmem>>, vector<1x384xf32>
    %add3A = vector.broadcast %get3A_8 : vector<1x384xf32> to vector<1000x384xf32>
    %add3A_9 = arith.addf %dot_general3A_5, %add3A : vector<1000x384xf32>
    %custom_jvp_call3A = arith.constant 0.000000e+00 : f32
    %max3A = vector.broadcast %custom_jvp_call3A : f32 to vector<1000x384xf32>
    %max3A_10 = arith.maximumf %add3A_9, %max3A : vector<1000x384xf32>
    %sub3A = vector.broadcast %custom_jvp_call3A : f32 to vector<1000x384xf32>
    %sub3A_11 = arith.subf %add3A_9, %sub3A : vector<1000x384xf32>
    %ne3A = arith.cmpf one, %sub3A_11, %sub3A_11 : vector<1000x384xf32>
    %add3A_12 = vector.broadcast %custom_jvp_call3A : f32 to vector<1000x384xf32>
    %add3A_13 = arith.addf %add3A_9, %add3A_12 : vector<1000x384xf32>
    %abs3A = math.absf %sub3A_11 : vector<1000x384xf32>
    %neg3A = arith.constant 0.000000e+00 : f32
    %neg3A_14 = vector.broadcast %neg3A : f32 to vector<1000x384xf32>
    %neg3A_15 = arith.subf %neg3A_14, %abs3A : vector<1000x384xf32>
    %exp3A = math.exp %neg3A_15 : vector<1000x384xf32>
    %log1p3A = math.log1p %exp3A : vector<1000x384xf32>
    %add3A_16 = arith.addf %max3A_10, %log1p3A : vector<1000x384xf32>
    %select_n3A = arith.select %ne3A, %add3A_13, %add3A_16 : vector<1000x384xi1>, vector<1000x384xf32>
    %tanh3A = math.tanh %select_n3A : vector<1000x384xf32>
    %mul3A = arith.mulf %add3A_9, %tanh3A : vector<1000x384xf32>
    %get3A_17 = arith.constant 0 : index
    %get3A_18 = arith.constant 0 : index
    %get3A_19 = vector.load %arg4[%get3A_17, %get3A_18] : memref<384x384xf32, #tpu.memory_space<vmem>>, vector<384x384xf32>
    %dot_general3A_20 = arith.constant dense<0.000000e+00> : vector<1000x384xf32>
    %dot_general3A_21 = tpu.matmul %mul3A, %get3A_19, %dot_general3A_20 {dimension_numbers = #tpu.dot_dimension_numbers<[1], [0], [0], [1], [0, 0, 1, 1], [], []>, transpose_lhs_hint = false} : vector<1000x384xf32>, vector<384x384xf32>, vector<1000x384xf32> -> vector<1000x384xf32>
    %add3A_22 = arith.addf %reshape3A, %dot_general3A_21 : vector<1000x384xf32>
    %get3A_23 = arith.constant 0 : index
    %get3A_24 = arith.constant 0 : index
    %get3A_25 = vector.load %arg5[%get3A_23, %get3A_24] : memref<1x384xf32, #tpu.memory_space<vmem>>, vector<1x384xf32>
    %add3A_26 = vector.broadcast %get3A_25 : vector<1x384xf32> to vector<1000x384xf32>
    %add3A_27 = arith.addf %add3A_22, %add3A_26 : vector<1000x384xf32>
    %reshape3A_28 = vector.shape_cast %add3A_27 : vector<1000x384xf32> to vector<3000x128xf32>
    %swap3A = arith.constant 0 : index
    %swap3A_29 = arith.constant 0 : index
    %swap3A_30 = vector.load %arg6[%swap3A, %swap3A_29] : memref<3000x128xf32, #tpu.memory_space<vmem>>, vector<3000x128xf32>
    tpu.vector_store %arg6[%swap3A, %swap3A_29], %reshape3A_28 {strides = array<i32>} : memref<3000x128xf32, #tpu.memory_space<vmem>>, vector<3000x128xf32>,
    return
  }
  func.func @transform_0(%arg0: i32) -> (i32, i32) {
    %c0_i32 = arith.constant 0 : i32
    %c0_i32_0 = arith.constant 0 : i32
    return %arg0, %c0_i32 : i32, i32
  }
  func.func @transform_1(%arg0: i32) -> (i32, i32) {
    %c0_i32 = arith.constant 0 : i32
    %c0_i32_0 = arith.constant 0 : i32
    %c0_i32_1 = arith.constant 0 : i32
    return %c0_i32, %c0_i32_0 : i32, i32
  }
  func.func @transform_2(%arg0: i32) -> (i32, i32) {
    %c0_i32 = arith.constant 0 : i32
    %c0_i32_0 = arith.constant 0 : i32
    %c0_i32_1 = arith.constant 0 : i32
    return %c0_i32, %c0_i32_0 : i32, i32
  }
  func.func @transform_3(%arg0: i32) -> (i32, i32) {
    %c0_i32 = arith.constant 0 : i32
    %c0_i32_0 = arith.constant 0 : i32
    %c0_i32_1 = arith.constant 0 : i32
    return %c0_i32, %c0_i32_0 : i32, i32
  }
  func.func @transform_4(%arg0: i32) -> (i32, i32) {
    %c0_i32 = arith.constant 0 : i32
    %c0_i32_0 = arith.constant 0 : i32
    %c0_i32_1 = arith.constant 0 : i32
    return %c0_i32, %c0_i32_0 : i32, i32
  }
  func.func @transform_5(%arg0: i32) -> (i32, i32) {
    %c0_i32 = arith.constant 0 : i32
    %c0_i32_0 = arith.constant 0 : i32
    return %arg0, %c0_i32 : i32, i32
  }
}

</mosaic_0001>

<sc_bundles>
// kernel: kernel.6.cloned.1.call-start
scs
__scs_entry_jumppad:
0x0: {  	(pc) =	sbr.rel $0x88, $3  }
0x1: {  	(tag) =	ssettag $0x0;
	lr =	simm.s32 $0x1  }
0x2: {  	[smem:$0x3F91] =	sst lr;
	_ =	strace $0xD0000000  }
0x3: {  	_ = 	snop  }
0x4: {  	_ = 	snop  }
0x5: {  	_ = 	snop  }
0x6: {  	_ = 	snop  }
0x7: {  	_ = 	snop  }
__scs_overlays_trampoline_lowered:
0x8: {  	[smem:$0x3FA0] =	sst s0  }
0x9: {  	[smem:$0x3FA1] =	sst s1  }
0xa: {  	[smem:$0x3FA2] =	sst s2  }
0xb: {  	[smem:$0x3FA3] =	sst s3  }
0xc: {  	[smem:$0x3FA4] =	sst s4  }
0xd: {  	[smem:$0x3FA5] =	sst s5  }
0xe: {  	[smem:$0x3FA6] =	sst s6  }
0xf: {  	[smem:$0x3FA7] =	sst s7  }
0x10: {  	[smem:$0x3FA8] =	sst s8  }
0x11: {  	[smem:$0x3FA9] =	sst s9;
	s0 =	simm.s32 @!p0 $0x0  }
0x12: {  	s1 =	sld [smem:$0x3F8F];
	s0 =	simm.s32 @p0 $0x1  }
0x13: {  	[smem:$0x3FAA] =	sst s0;
	s0 =	simm.s32 @!p1 $0x0  }
0x14: {  	s2 =	sld [smem:$0x3F8E];
	s0 =	simm.s32 @p1 $0x1  }
0x15: {  	[smem:$0x3FAB] =	sst s0;
	s0 =	simm.s32 @!p2 $0x0  }
0x16: {  	s3 =	sld [smem:$0x3FDB];
	s0 =	simm.s32 @p2 $0x1  }
0x17: {  	s4 =	simm.s32 $0x1BF5;
	[smem:$0x3FAD] =	sst s0  }
0x18: {  	s0 =	sld [smem:$0x3F90];
	_ =	swait.ge [sflag:s4], $0x0  }
0x19: {  	s7 =	sld [smem:$0x3F91]  }
0x1a: {  	s8 =	sadd.s32 $0xFFFFE003, lr  }
0x1b: {  	s9 =	sadd.s32 $0xFFFFFEF7, lr;
	s5 =	simm.s32 $0xFFFFFFFF;
	p2 =	slt.u32 s8, $0xFFFFF086  }
0x1c: {  	p1 =	slt.u32 s9, $0xF7A;
	s5 =	simm.s32 @!p2 $0x0  }
0x1d: {  	s5 =	simm.s32 @p1 $0x1;
	p0 =	seq.s32 s7, s2  }
0x1e: {  	s7 =	smul.u32 @!p0 $0xF7A, s2;
	p2 =	seq.s32 @!p0 s5, $0x0  }
0x1f: {  	s9 =	smul.u32 $0xF7A, s1;
	s8 =	simm.s32 @!p0 $0x1BF5;
	p2 =	por !p2, p0  }
0x20: {  	[sflag:s8] =	ssyncset.s32 @!p0 $0xFFFFF086;
	s6 =	sadd.s32 @!p0 s3, s7;
	s7 =	simm.s32 @!p0 $0x108  }
0x21: {  	s3 =	sadd.s32 s3, s9;
	s6 =	sadd.s32 @!p0 $0x88, s6;
	s7 =	simm.s32 @p2 $0x1082  }
0x22: {  	[simem:s7], [sflag:s8] =	dma.local @!p0 [hbm:s6], $0xF7A  }
0x23: {  	s9 =	sor.u32 $0xD0000000, s2;
	s6 =	simm.s32 $0x108;
	_ =	swait.ge @!p0 [sflag:s8], $0x0  }
0x24: {  	s3 =	sadd.s32 $0x88, s3;
	s6 =	simm.s32 @!p1 $0x1082;
	[sflag:s4] =	ssyncset.s32 $0xFFFFF086  }
0x25: {  	[simem:s6], [sflag:s4] =	dma.local [hbm:s3], $0xF7A  }
0x26: {  	[smem:$0x3F91] =	sst s1;
	(tag) =	ssettag s2;
	_ =	strace s9  }
0x27: {  	s1 =	sld [smem:$0x3FA1]  }
0x28: {  	s2 =	sld [smem:$0x3FA2]  }
0x29: {  	s4 =	sld [smem:$0x3FA4]  }
0x2a: {  	p0 =	seq.s32 s5, $0x0;
	s5 =	sld [smem:$0x3FA5]  }
0x2b: {  	s6 =	sld [smem:$0x3FA6]  }
0x2c: {  	s7 =	sld [smem:$0x3FA7]  }
0x2d: {  	s3 =	simm.s32 $0x108;
	s8 =	sld [smem:$0x3FA8]  }
0x2e: {  	s3 =	simm.s32 @!p0 $0x1082;
	s9 =	sld [smem:$0x3FA9]  }
0x2f: {  	lr =	sadd.s32 s0, s3;
	s0 =	sld [smem:$0x3FA0]  }
0x30: {  	s3 =	sld [smem:$0x3FA3]  }
0x31: {  	[smem:$0x3FAC] =	sst s10  }
0x32: {  	s10 =	sld [smem:$0x3FAA];
	_ =	sdelay $0x3  }
0x33: {  	p0 =	seq.s32 s10, $0x1;
	s10 =	sld [smem:$0x3FAC];
	_ =	sdelay $0x3  }
0x34: {  	[smem:$0x3FAC] =	sst s10  }
0x35: {  	s10 =	sld [smem:$0x3FAB];
	_ =	sdelay $0x3  }
0x36: {  	p1 =	seq.s32 s10, $0x1;
	s10 =	sld [smem:$0x3FAC];
	_ =	sdelay $0x3  }
0x37: {  	[smem:$0x3FAC] =	sst s10  }
0x38: {  	s10 =	sld [smem:$0x3FAD]  }
0x39: {  	_ = 	snop;
	(pc) =	sbr.ind lr, $3  }
0x3a: {  	_ = 	snop  }
0x3b: {  	_ = 	snop  }
0x3c: {  	p2 =	seq.s32 s10, $0x1;
	s10 =	sld [smem:$0x3FAC]  }
0x3d: {  	_ =	shalt  }
0x3e: {  	_ =	shalt  }
0x3f: {  	_ =	shalt  }
0x40: {  	_ =	shalt  }
0x41: {  	_ =	shalt  }
0x42: {  	_ =	shalt  }
0x43: {  	_ =	shalt  }
0x44: {  	_ =	shalt  }
0x45: {  	_ =	shalt  }
0x46: {  	_ =	shalt  }
0x47: {  	_ =	shalt  }
0x48: {  	_ =	shalt  }
0x49: {  	_ =	shalt  }
0x4a: {  	_ =	shalt  }
0x4b: {  	_ =	shalt  }
0x4c: {  	_ =	shalt  }
0x4d: {  	_ =	shalt  }
0x4e: {  	_ =	shalt  }
0x4f: {  	_ =	shalt  }
0x50: {  	_ =	shalt  }
0x51: {  	_ =	shalt  }
0x52: {  	_ =	shalt  }
0x53: {  	_ =	shalt  }
0x54: {  	_ =	shalt  }
0x55: {  	_ =	shalt  }
0x56: {  	_ =	shalt  }
0x57: {  	_ =	shalt  }
0x58: {  	_ =	shalt  }
0x59: {  	_ =	shalt  }
0x5a: {  	_ =	shalt  }
0x5b: {  	_ =	shalt  }
0x5c: {  	_ =	shalt  }
0x5d: {  	_ =	shalt  }
0x5e: {  	_ =	shalt  }
0x5f: {  	_ =	shalt  }
0x60: {  	_ =	shalt  }
0x61: {  	_ =	shalt  }
0x62: {  	_ =	shalt  }
0x63: {  	_ =	shalt  }
0x64: {  	_ =	shalt  }
0x65: {  	_ =	shalt  }
0x66: {  	_ =	shalt  }
0x67: {  	_ =	shalt  }
0x68: {  	_ =	shalt  }
0x69: {  	_ =	shalt  }
0x6a: {  	_ =	shalt  }
0x6b: {  	_ =	shalt  }
0x6c: {  	_ =	shalt  }
0x6d: {  	_ =	shalt  }
0x6e: {  	_ =	shalt  }
0x6f: {  	_ =	shalt  }
0x70: {  	_ =	shalt  }
0x71: {  	_ =	shalt  }
0x72: {  	_ =	shalt  }
0x73: {  	_ =	shalt  }
0x74: {  	_ =	shalt  }
0x75: {  	_ =	shalt  }
0x76: {  	_ =	shalt  }
0x77: {  	_ =	shalt  }
0x78: {  	_ =	shalt  }
0x79: {  	_ =	shalt  }
0x7a: {  	_ =	shalt  }
0x7b: {  	_ =	shalt  }
0x7c: {  	_ =	shalt  }
0x7d: {  	_ =	shalt  }
0x7e: {  	_ =	shalt  }
0x7f: {  	_ =	shalt  }
0x80: {  	_ =	shalt  }
0x81: {  	_ =	shalt  }
0x82: {  	_ =	shalt  }
0x83: {  	_ =	shalt  }
0x84: {  	_ =	shalt  }
0x85: {  	_ =	shalt  }
0x86: {  	_ =	shalt  }
0x87: {  	_ =	shalt  }
.Lfunc_end0:
.L_simem_size_0:
called_computation_lowered:
.L_overlay_start_0:
0x88: {  	s2 =	sld [smem:$0x3FD9]  }
0x89: {  	s3 =	sld [smem:$0x3FFE];
	_ =	sdelay $0x1  }
0x8a: {  	s1 =	srdreg.scid  }
0x8b: {  	s0 =	sand.u32 $0x1, s1  }
0x8c: {  	s14 =	sshll.u32 s0, $0xA;
	s2 =	sadd.s32 s3, s2  }
0x8d: {  	s2 =	sadd.s32 s2, s14  }
0x8e: {  	[smem:$0x3FB8] =	sst s2  }
0x8f: {  	_ = 	snop  }
0x90: {  	s2 =	sld [smem:$0x3FD0];
	_ =	sdelay $0x2  }
0x91: {  	s4 =	simm.s32 $0xA;
	s5 =	simm.s32 $0x10;
	s15 =	sld [smem:$0x3FC9]  }
0x92: {  	[smem:s5], [sflag:s4] =	dma.local [hbm:s2], $0x1  }
0x93: {  	_ =	swait.eq [sflag:s4], $0x1  }
0x94: {  	[sflag:s4] =	ssyncset.done $0x0  }
0x95: {  	[sflag:s4] =	ssyncadd.s32 $0xFFFFFFFF  }
0x96: {  	s16 =	sld [smem:$0x10];
	(tm) =	ssettm $0x1  }
0x97: {  	s17 =	sld [smem:$0x3FFB];
	_ =	sdelay $0x3  }
0x98: {  	_ =	strace s17  }
0x99: {  	s4 =	sld [smem:$0x3FFC];
	_ =	sdelay $0x3  }
0x9a: {  	_ =	strace s4  }
0x9b: {  	s4 =	sld [smem:$0x3FFD];
	_ =	sdelay $0x3  }
0x9c: {  	_ =	strace s4  }
0x9d: {  	_ =	strace $0x8FFFFFFF  }
0x9e: {  	s18 =	sld [smem:$0x3FDB];
	_ =	sdelay $0x1  }
0x9f: {  	s19 =	simm.s32 $_scs_section_size  }
0xa0: {  	s6 =	simm.s32 $_size__tile_overlayer_lowered;
	s7 =	simm.s32 $_tile_overlayer_lowered  }
0xa1: {  	s22 =	simm.s32 $0x1BFF;
	s21 =	sshll.u32 s7, $0x1;
	s4 =	sadd.s32 s19, s18  }
0xa2: {  	s8 =	simm.s32 $0x0;
	s20 =	sshll.u32 s6, $0x1;
	s6 =	sadd.s32 s21, s4  }
0xa3: {  	[timem:s8], [sflag:s22] =	dma.local [hbm:s6], s20  }
0xa4: {  	_ =	swait.ge [sflag:s22], s20  }
0xa5: {  	s5 =	ssub.s32 $0x0, s20;
	[sflag:s22] =	ssyncset.done $0x0  }
0xa6: {  	[sflag:s22] =	ssyncadd.s32 s5;
	_ =	sdelay $0x1  }
0xa7: {  	s23 =	simm.s32 $0x1B8B  }
0xa8: {  	_ =	swait.ge [sflag:s23], $0x1  }
0xa9: {  	[sflag:s23] =	ssyncset.done $0x0  }
0xaa: {  	s25 =	simm.s32 $0x1B8E;
	s24 =	sld [smem:$0x3FFE];
	[sflag:s23] =	ssyncadd.s32 $0xFFFFFFFF  }
0xab: {  	s26 =	simm.s32 $execute0_lowered;
	[smem:$0x3FD2] =	sst s25  }
0xac: {  	s6 =	sshll.u32 s26, $0x1;
	_ =	strace $0x80000046;
	[dreg:$0x1] =	wrdreg $0xFFFFFFFF  }
0xad: {  	s28 =	simm.s32 $_size_execute0_lowered;
	s4 =	sadd.s32 s4, s6;
	[dreg:$0x0] =	wrdreg $0x0  }
0xae: {  	s6 =	sshll.u32 s28, $0x1;
	[dreg:$0x2] =	wrdreg s4  }
0xaf: {  	[dreg:$0x3] =	wrdreg s6  }
0xb0: {  	[dreg:$0x4] =	wrdreg $0xC0  }
0xb1: {  	_ =	task [dreg:s8], $0x5FFFF  }
0xb2: {  	[dreg:$0x1] =	wrdreg $0xFFFFFFFF  }
0xb3: {  	[dreg:$0x0] =	wrdreg $0x60  }
0xb4: {  	[dreg:$0x2] =	wrdreg s15  }
0xb5: {  	[dreg:$0x3] =	wrdreg s24  }
0xb6: {  	[dreg:$0x4] =	wrdreg s16  }
0xb7: {  	[dreg:$0x5] =	wrdreg $0x9  }
0xb8: {  	_ =	task.clear_ibuf [dreg:s8], $0x6FFFF;
	_ =	strace $0x90000046  }
0xb9: {  	s29 =	simm.s32 $0x9;
	_ =	strace $0x80000048  }
0xba: {  	_ =	swait.ge [sflag:s29], $0x1  }
0xbb: {  	[sflag:s29] =	ssyncadd.s32 $0xFFFFFFFF  }
0xbc: {  	_ =	strace $0x90000048  }
0xbd: {  	_ =	sfence  }
0xbe: {  	s30 =	sld [smem:$0x0];
	_ =	sdelay $0x2  }
0xbf: {  	s31 =	sshll.u32 s1, $0xD;
	s1 =	sshrl.u32 s1, $0x2  }
0xc0: {  	s3 =	sand.u32 $0x4000, s31;
	s1 =	sadd.s32 s1, s30  }
0xc1: {  	s0 =	sor.u32 s3, s0;
	s1 =	sshll.u32 s1, $0x11  }
0xc2: {  	s0 =	sor.u32 s1, s0  }
0xc3: {  	s0 =	sadd.s32 $0x8F2B, s0  }
0xc4: {  	[sflag:s0] =	ssyncadd.remote.s32 $0x1  }
0xc5: {  	_ =	sfence.sel $0xFFFF  }
0xc6: {  	[dreg:$0x0] =	wrdreg $0xFFFFFFFF;
	(pc) =	sbr.abs _section_cstart, $3  }
0xc7: {  	[dreg:$0x1] =	wrdreg $0xFFFFFFFF  }
0xc8: {  	_ =	task.clear_ibuf [dreg:s8], $0x2FFFF;
	_ =	strace $0x9FFFFFFF  }
0xc9: {  	(tm) =	ssettm $0x7FFFFFFF  }
tec
execute0_lowered:
.L_overlay_start_1:
0x0: {  	(tag) =	ssettag $0x1  }
0x1: {  	s0 =	srdreg.scid;
	s1 =	rddreg [dreg:$0x0]  }
0x2: {  	s7 =	stileid.u32;
	s5 =	rddreg [dreg:$0x1]  }
0x3: {  	s3 =	rddreg [dreg:$0x2];
	s4 =	simm.s32 $0x0;
	s13 =	simm.s32 $0x4380  }
0x4: {  	s14 =	simm.s32 $0x8380;
	s16 =	simm.s32 $0xC380;
	s18 =	simm.s32 $0x10380  }
0x5: {  	s20 =	simm.s32 $0x14380;
	s21 =	simm.s32 $0x1;
	s6 =	smul.u32 $0x87000, s7  }
0x6: {  	s28 =	simm.s32 $0x7;
	s29 =	simm.s32 $0x8;
	s8 =	smul.u32 $0x438000, s7  }
0x7: {  	s30 =	simm.s32 $0x9;
	s0 =	sand.u32 $0x1, s0;
	s9 =	smul.u32 $0x10E, s7  }
0x8: {  	s31 =	simm.s32 $0xA;
	s2 =	sshll.u32 s7, $0x1;
	s11 =	smul.u32 $0x87, s0  }
0x9: {  	[smem:$0x7FF] =	sst s4;
	s2 =	sor.u32 s0, s2;
	s12 =	smul.u32 $0x43800, s0  }
0xa: {  	_ =	strace $0x80000047;
	s22 =	ssub.s32 $0x2, s0;
	s0 =	smul.u32 $0x21C000, s0  }
0xb: {  	s2 =	smul.u32 $0x870, s2;
	s10 =	sadd.s32 s6, s5;
	s23 =	sshrl.u32 s22, $0x1  }
0xc: {  	s7 =	ssub.s32 s22, s23;
	s25 =	sadd.s32 s11, s9;
	s26 =	sadd.s32 s12, s10  }
0xd: {  	s8 =	sadd.s32 s0, s8;
	s11 =	simm.s32 $0xB;
	s12 =	simm.s32 $0x80  }
.Ltmp0:
0xe: {  	s22 =	simm.s32 $0x2;
	s23 =	simm.s32 $0x3;
	(pc) =	sbr.rel .LBB2_1-.Ltmp0, $4  }
0xf: {  	s2 =	sadd.s32 s2, s5;
	s5 =	sadd.s32 $0x13400, s5;
	s24 =	smax.u32 s7, $0x1  }
0x10: {  	s17 =	sadd.s32 $0x4, s25;
	s15 =	sadd.s32 $0x26A400, s26;
	s25 =	simm.s32 $0x5  }
0x11: {  	s26 =	simm.s32 $0x6;
	s2 =	sadd.s32 $0x2600, s2;
	[dreg:$0x5] =	wrdreg s24  }
0x12: {  	s24 =	simm.s32 $0x4;
	[dreg:$0x4] =	wrdreg s2;
	s2 =	simm.s32 $0x0  }
.LBB2_4:
0x13: {  	_ =	swait.ge [sflag:s28], $0x4000  }
0x14: {  	[sflag:s28] =	ssyncset.done $0x0  }
0x15: {  	[sflag:s28] =	ssyncadd.s32 $0xFFFFC000  }
0x16: {  	_ =	swait.ge [sflag:s29], $0x4000  }
0x17: {  	[sflag:s29] =	ssyncset.done $0x0  }
0x18: {  	[sflag:s29] =	ssyncadd.s32 $0xFFFFC000  }
0x19: {  	_ =	swait.ge [sflag:s30], $0x4000  }
0x1a: {  	[sflag:s30] =	ssyncset.done $0x0  }
0x1b: {  	[sflag:s30] =	ssyncadd.s32 $0xFFFFC000  }
0x1c: {  	_ =	swait.ge [sflag:s31], $0x4000  }
0x1d: {  	s2 =	sadd.s32 $0x1, s2;
	s0 =	rddreg [dreg:$0x5]  }
0x1e: {  	p0 =	sne.s32 s2, s0  }
.Ltmp1:
0x1f: {  	_ = 	snop;
	(pc) =	sbr.rel @!p0 .LBB2_5-.Ltmp1, $3  }
0x20: {  	_ =	sdelay $0x1  }
0x21: {  	[sflag:s31] =	ssyncset.done $0x0  }
0x22: {  	[sflag:s31] =	ssyncadd.s32 $0xFFFFC000  }
.LBB2_1:
0x23: {  	s0 =	rddreg [dreg:$0x4]  }
0x24: {  	[tilespmem:s4], [sflag:$0xB] =	stream.linear.gather [hbm4b:s0+s4], $0x4380, $0x38;
	[tilespmem:$0x18380] =	vst v63  }
0x25: {  	_ =	swait.ge [sflag:s11], $0x4380  }
0x26: {  	[sflag:s11] =	ssyncset.done $0x0  }
0x27: {  	[sflag:s11] =	ssyncadd.s32 $0xFFFFBC80  }
0x28: {  	[tilespmem:s13], [sflag:$0x1] =	stream.indirect.gather [hbm4b:s1+s12], $0x80, s4, s12, $0xb8;
	[tilespmem:$0x18380] =	vst v63  }
0x29: {  	_ = 	snop  }
0x2a: {  	[tilespmem:s14], [sflag:$0x2] =	stream.indirect.gather [hbm4b:s1+s12], $0x80, s12, s12, $0xb8;
	[tilespmem:$0x18380] =	vst v63  }
0x2b: {  	s9 =	simm.s32 $0x100  }
0x2c: {  	[tilespmem:s16], [sflag:$0x3] =	stream.indirect.gather [hbm4b:s1+s12], $0x80, s9, s12, $0xb8;
	[tilespmem:$0x18380] =	vst v63  }
0x2d: {  	s10 =	simm.s32 $0x180  }
0x2e: {  	[tilespmem:s18], [sflag:$0x4] =	stream.indirect.gather [hbm4b:s1+s12], $0x80, s10, s12, $0xb8;
	[tilespmem:$0x18380] =	vst v63  }
0x2f: {  	s19 =	simm.s32 $0x200;
	s0 =	simm.s32 $0x480  }
0x30: {  	[tilespmem:s20], [sflag:$0x5] =	stream.indirect.gather [hbm4b:s1+s12], $0x80, s19, s12, $0xb8;
	[tilespmem:$0x18380] =	vst v63  }
0x31: {  	s9 =	smov.u32 s17;
	s10 =	smov.u32 s15;
	s19 =	simm.s32 $0x0  }
.LBB2_2:
0x32: {  	s6 =	sadd.s32 $0xFFFFFFFC, s9  }
0x33: {  	p0 =	sgt.u32 s6, $0x30D  }
0x34: {  	p1 =	sgt.u32 @p0 s6, $0xC35  }
0x35: {  	p2 =	por !p1, !p0;
	p1 =	por p1, !p0  }
0x36: {  	s6 =	sadd.s32 @!p2 s19, s8;
	s7 =	sadd.s32 @!p1 s19, s8  }
0x37: {  	s6 =	sadd.s32 @!p2 $0xFCF28000, s6;
	s7 =	sadd.s32 @!p1 $0xFF3C8000, s7  }
0x38: {  	s6 =	sshrl.u32 @!p2 s6, $0x3;
	s7 =	sshrl.u32 @!p1 s7, $0x3  }
0x39: {  	_ =	swait.ge [sflag:s21], $0x4000;
	s6 =	sadd.s32 @!p2 s5, s6;
	s7 =	sadd.s32 @!p1 s3, s7  }
0x3a: {  	[sflag:s21] =	ssyncset.done $0x0;
	s6 =	smov.u32 @p2 s7;
	s7 =	sadd.s32 @!p0 $0xFFFFE000, s10  }
0x3b: {  	[sflag:s21] =	ssyncadd.s32 $0xFFFFC000;
	s7 =	smov.u32 @p0 s6;
	s6 =	sadd.s32 $0xFFFFFFFD, s9  }
0x3c: {  	[hbm4b:s7+s4] =	stream.linear.scatter [tilespmem:s13], [sflag:$0x6], $0x4000, $0x38;
	[tilespmem:$0x18380] =	vst v63  }
0x3d: {  	p0 =	sgt.u32 s6, $0x30D  }
0x3e: {  	p1 =	sgt.u32 @p0 s6, $0xC35  }
0x3f: {  	p2 =	por !p1, !p0;
	p1 =	por p1, !p0  }
0x40: {  	s6 =	sadd.s32 @!p2 s19, s8;
	s7 =	sadd.s32 @!p1 s19, s8  }
0x41: {  	s6 =	sadd.s32 @!p2 $0xFCF2C000, s6;
	s7 =	sadd.s32 @!p1 $0xFF3CC000, s7  }
0x42: {  	s6 =	sshrl.u32 @!p2 s6, $0x3;
	s7 =	sshrl.u32 @!p1 s7, $0x3  }
0x43: {  	_ =	swait.ge [sflag:s22], $0x4000;
	s6 =	sadd.s32 @!p2 s5, s6;
	s7 =	sadd.s32 @!p1 s3, s7  }
0x44: {  	[sflag:s22] =	ssyncset.done $0x0;
	s6 =	smov.u32 @p2 s7;
	s7 =	sadd.s32 @!p0 $0xFFFFE800, s10  }
0x45: {  	[sflag:s22] =	ssyncadd.s32 $0xFFFFC000;
	s7 =	smov.u32 @p0 s6;
	s6 =	sadd.s32 $0xFFFFFFFE, s9  }
0x46: {  	[hbm4b:s7+s4] =	stream.linear.scatter [tilespmem:s14], [sflag:$0x7], $0x4000, $0x38;
	[tilespmem:$0x18380] =	vst v63  }
0x47: {  	p0 =	sgt.u32 s6, $0x30D  }
0x48: {  	p1 =	sgt.u32 @p0 s6, $0xC35  }
0x49: {  	p2 =	por !p1, !p0;
	p1 =	por p1, !p0  }
0x4a: {  	s6 =	sadd.s32 @!p2 s19, s8;
	s7 =	sadd.s32 @!p1 s19, s8  }
0x4b: {  	s6 =	sadd.s32 @!p2 $0xFCF30000, s6;
	s7 =	sadd.s32 @!p1 $0xFF3D0000, s7  }
0x4c: {  	s6 =	sshrl.u32 @!p2 s6, $0x3;
	s7 =	sshrl.u32 @!p1 s7, $0x3  }
0x4d: {  	_ =	swait.ge [sflag:s23], $0x4000;
	s6 =	sadd.s32 @!p2 s5, s6;
	s7 =	sadd.s32 @!p1 s3, s7  }
0x4e: {  	[sflag:s23] =	ssyncset.done $0x0;
	s6 =	smov.u32 @p2 s7;
	s7 =	sadd.s32 @!p0 $0xFFFFF000, s10  }
0x4f: {  	[sflag:s23] =	ssyncadd.s32 $0xFFFFC000;
	s7 =	smov.u32 @p0 s6;
	s6 =	sadd.s32 $0xFFFFFFFF, s9  }
0x50: {  	[hbm4b:s7+s4] =	stream.linear.scatter [tilespmem:s16], [sflag:$0x8], $0x4000, $0x38;
	[tilespmem:$0x18380] =	vst v63  }
0x51: {  	p0 =	sgt.u32 s6, $0x30D  }
0x52: {  	p1 =	sgt.u32 @p0 s6, $0xC35  }
0x53: {  	p2 =	por !p1, !p0;
	p1 =	por p1, !p0  }
0x54: {  	s6 =	sadd.s32 @!p2 s19, s8;
	s7 =	sadd.s32 @!p1 s19, s8  }
0x55: {  	s6 =	sadd.s32 @!p2 $0xFCF34000, s6;
	s7 =	sadd.s32 @!p1 $0xFF3D4000, s7  }
0x56: {  	s6 =	sshrl.u32 @!p2 s6, $0x3;
	s7 =	sshrl.u32 @!p1 s7, $0x3  }
0x57: {  	_ =	swait.ge [sflag:s24], $0x4000;
	s6 =	sadd.s32 @!p2 s5, s6;
	s7 =	sadd.s32 @!p1 s3, s7  }
0x58: {  	[sflag:s24] =	ssyncset.done $0x0;
	s6 =	smov.u32 @p2 s7;
	s7 =	sadd.s32 @!p0 $0xFFFFF800, s10  }
0x59: {  	[sflag:s24] =	ssyncadd.s32 $0xFFFFC000;
	s7 =	smov.u32 @p0 s6;
	p0 =	slt.u32 s9, $0x30E  }
0x5a: {  	[hbm4b:s7+s4] =	stream.linear.scatter [tilespmem:s18], [sflag:$0x9], $0x4000, $0x38;
	[tilespmem:$0x18380] =	vst v63  }
0x5b: {  	p1 =	sgt.u32 @!p0 s9, $0xC35  }
0x5c: {  	p2 =	por !p1, p0;
	p1 =	por p1, p0  }
0x5d: {  	s6 =	sadd.s32 @!p2 s19, s8;
	s7 =	sadd.s32 @!p1 s19, s8  }
0x5e: {  	s6 =	sadd.s32 @!p2 $0xFCF38000, s6;
	s7 =	sadd.s32 @!p1 $0xFF3D8000, s7  }
0x5f: {  	s6 =	sshrl.u32 @!p2 s6, $0x3;
	s7 =	sshrl.u32 @!p1 s7, $0x3  }
0x60: {  	s6 =	sadd.s32 @!p2 s5, s6;
	s7 =	sadd.s32 @!p1 s3, s7  }
0x61: {  	_ =	swait.ge [sflag:s25], $0x4000;
	s6 =	smov.u32 @p2 s7  }
0x62: {  	[sflag:s25] =	ssyncset.done $0x0;
	s6 =	smov.u32 @p0 s10;
	p0 =	seq.s32 s19, $0x208000  }
.Ltmp2:
0x63: {  	[sflag:s25] =	ssyncadd.s32 $0xFFFFC000;
	(pc) =	sbr.rel @p0 .LBB2_4-.Ltmp2, $4  }
0x64: {  	[hbm4b:s6+s4] =	stream.linear.scatter [tilespmem:s20], [sflag:$0xA], $0x4000, $0x38;
	[tilespmem:$0x18380] =	vst v63  }
0x65: {  	_ =	swait.ge [sflag:s26], $0x4000  }
0x66: {  	[sflag:s26] =	ssyncset.done $0x0  }
0x67: {  	[sflag:s26] =	ssyncadd.s32 $0xFFFFC000  }
0x68: {  	s6 =	sadd.s32 $0xFFFFFE00, s0  }
0x69: {  	[tilespmem:s13], [sflag:$0x1] =	stream.indirect.gather [hbm4b:s1+s12], $0x80, s6, s12, $0xb8;
	[tilespmem:$0x18380] =	vst v63  }
0x6a: {  	_ =	swait.ge [sflag:s28], $0x4000  }
0x6b: {  	[sflag:s28] =	ssyncset.done $0x0  }
0x6c: {  	s7 =	sadd.s32 $0xFFFFFE80, s0;
	[sflag:s28] =	ssyncadd.s32 $0xFFFFC000  }
0x6d: {  	[tilespmem:s14], [sflag:$0x2] =	stream.indirect.gather [hbm4b:s1+s12], $0x80, s7, s12, $0xb8;
	[tilespmem:$0x18380] =	vst v63  }
0x6e: {  	_ =	swait.ge [sflag:s29], $0x4000  }
0x6f: {  	[sflag:s29] =	ssyncset.done $0x0  }
0x70: {  	s7 =	sadd.s32 $0xFFFFFF00, s0;
	[sflag:s29] =	ssyncadd.s32 $0xFFFFC000  }
0x71: {  	[tilespmem:s16], [sflag:$0x3] =	stream.indirect.gather [hbm4b:s1+s12], $0x80, s7, s12, $0xb8;
	[tilespmem:$0x18380] =	vst v63  }
0x72: {  	_ =	swait.ge [sflag:s30], $0x4000  }
0x73: {  	[sflag:s30] =	ssyncset.done $0x0  }
0x74: {  	s7 =	sadd.s32 $0xFFFFFF80, s0;
	[sflag:s30] =	ssyncadd.s32 $0xFFFFC000  }
0x75: {  	[tilespmem:s18], [sflag:$0x4] =	stream.indirect.gather [hbm4b:s1+s12], $0x80, s7, s12, $0xb8;
	[tilespmem:$0x18380] =	vst v63  }
.Ltmp3:
0x76: {  	_ =	swait.ge [sflag:s31], $0x4000;
	(pc) =	sbr.rel .LBB2_2-.Ltmp3, $4  }
0x77: {  	[sflag:s31] =	ssyncset.done $0x0  }
0x78: {  	s19 =	sadd.s32 $0x14000, s19;
	[sflag:s31] =	ssyncadd.s32 $0xFFFFC000  }
0x79: {  	[tilespmem:s20], [sflag:$0x5] =	stream.indirect.gather [hbm4b:s1+s12], $0x80, s0, s12, $0xb8;
	[tilespmem:$0x18380] =	vst v63  }
0x7a: {  	s9 =	sadd.s32 $0x5, s9;
	s10 =	sadd.s32 $0x2800, s10;
	s0 =	sadd.s32 $0x280, s0  }
.LBB2_5:
0x7b: {  	_ =	sfence.sel $0x180000  }
0x7c: {  	[bflag:$0x0] =	sbarrier.arrive $0xFFFF  }
0x7d: {  	_ =	strace $0x90000047  }
0x7e: {  	s0 =	stileid.u32;
	[bflag:$0x2] =	sbarrier.arrive $0xFFFF  }
0x7f: {  	p0 =	sne.s32 s0, $0x0;
	s0 =	rddreg [dreg:$0x3]  }
0x80: {  	s0 =	sadd.s32 @!p0 $0x100000, s0  }
0x81: {  	[sflag:s0] =	ssyncadd.tile.s32 @!p0 $0x1;
	_ =	shalt  }
.Lfunc_end2:
_tile_overlayer_lowered:
.L_overlay_start_2:
0x82: {  	(tag) =	ssettag $0x2  }
0x83: {  	s0 =	rddreg [dreg:$0x0];
	s2 =	stileid.u32  }
0x84: {  	s1 =	rddreg [dreg:$0x1];
	p0 =	sne.s32 s2, $0x0  }
0x85: {  	s3 =	rddreg [dreg:$0x2];
	[bflag:$0x3] =	sbarrier.arrive $0xFFFF;
	s2 =	simm.s32 @!p0 $0x1C0B  }
0x86: {  	[timem:s3], [sflag:s2] =	dma.local @!p0 [hbm:s0], s1  }
0x87: {  	s0 =	simm.s32 @!p0 $0xB  }
0x88: {  	_ =	swait.ge @!p0 [sflag:s0], s1  }
0x89: {  	s1 =	ssub.s32 @!p0 $0x0, s1;
	[sflag:s0] =	ssyncset.done @!p0 $0x0  }
0x8a: {  	[sflag:s0] =	ssyncadd.s32 @!p0 s1  }
0x8b: {  	[bflag:$0x3] =	sbarrier.arrive $0xFFFF  }
0x8c: {  	_ =	shalt  }

</sc_bundles>
